<compile_context>
chip_gen: v7x
topology: tpu7x:2x2x1
jax: 0.10.2.dev20260603
libtpu: 0.0.44.dev20260713+nightly
codegen_flags: <defaults>
</compile_context>

<pallas_src>
import jax
import jax.numpy as jnp
from jax import lax
from jax.experimental import pallas as pl
from jax.experimental.pallas import tpu as pltpu
from jax.experimental.pallas import tpu_sc as plsc

VOCAB = 100000
CTX = 200
DIM = 64
BATCH = 1024

NC = 2
NS = 16
NW = NC * NS
SEQ_PER_W = BATCH // NW
ROWS_PER_W = SEQ_PER_W * CTX
CH0 = 128
CH1 = CTX - CH0
LANES = 16


def _sc_body(table_hbm, text_hbm, text_t_hbm, pos_hbm, out_hbm, len_hbm,
             idx_v, idxt_v, pos_v, rows_v, len_v, sem):
    wid = lax.axis_index("s") * NC + lax.axis_index("c")
    base_row = wid * ROWS_PER_W
    base_seq = wid * SEQ_PER_W

    pltpu.sync_copy(text_hbm.at[pl.ds(base_row, ROWS_PER_W)], idx_v)
    pltpu.sync_copy(text_t_hbm.at[pl.ds(base_row, ROWS_PER_W)], idxt_v)
    pltpu.sync_copy(pos_hbm, pos_v)

    def am_body(p, accs):
        a0, a1 = accs
        v0 = idxt_v[pl.ds(p * SEQ_PER_W, LANES)]
        v1 = idxt_v[pl.ds(p * SEQ_PER_W + LANES, LANES)]
        k = 255 - p
        return (jnp.maximum(a0, v0 * 256 + k), jnp.maximum(a1, v1 * 256 + k))

    init = jnp.full((LANES,), -1, jnp.int32)
    a0, a1 = lax.fori_loop(0, CTX, am_body, (init, init), unroll=4)
    len_v[pl.ds(0, LANES)] = 255 - (a0 & 255)
    len_v[pl.ds(LANES, LANES)] = 255 - (a1 & 255)
    pltpu.sync_copy(len_v, len_hbm.at[pl.ds(base_seq, SEQ_PER_W)])

    def seq_body(s, carry):
        cp0 = pltpu.async_copy(
            table_hbm.at[idx_v.at[pl.ds(s * CTX, CH0)]],
            rows_v.at[pl.ds(0, CH0)], sem)
        cp1 = pltpu.async_copy(
            table_hbm.at[idx_v.at[pl.ds(s * CTX + CH0, CH1)]],
            rows_v.at[pl.ds(CH0, CH1)], sem)
        cp0.wait()
        cp1.wait()

        def add_body(r, c):
            for j in range(DIM // LANES):
                sl = pl.ds(j * LANES, LANES)
                rows_v[r, sl] = rows_v[r, sl] + pos_v[r, sl]
            return c
        lax.fori_loop(0, CTX, add_body, 0, unroll=2)

        pltpu.sync_copy(rows_v, out_hbm.at[pl.ds(base_row + s * CTX, CTX)])
        return carry

    lax.fori_loop(0, SEQ_PER_W, seq_body, 0)


def kernel(text, token_embedding, pos_embed):
    text = text.astype(jnp.int32)
    text_flat = text.reshape(BATCH * CTX)
    text_t = (text.reshape(NW, SEQ_PER_W, CTX)
              .transpose(0, 2, 1).reshape(NW * CTX * SEQ_PER_W))
    pos2d = pos_embed.reshape(CTX, DIM).astype(jnp.float32)
    table = token_embedding.astype(jnp.float32)

    mesh = plsc.VectorSubcoreMesh(core_axis_name="c", subcore_axis_name="s")
    f = pl.kernel(
        _sc_body,
        mesh=mesh,
        compiler_params=pltpu.CompilerParams(use_tc_tiling_on_sc=False),
        out_type=[
            jax.ShapeDtypeStruct((BATCH * CTX, DIM), jnp.float32),
            jax.ShapeDtypeStruct((BATCH,), jnp.int32),
        ],
        scratch_types=[
            pltpu.VMEM((ROWS_PER_W,), jnp.int32),
            pltpu.VMEM((ROWS_PER_W,), jnp.int32),
            pltpu.VMEM((CTX, DIM), jnp.float32),
            pltpu.VMEM((CTX, DIM), jnp.float32),
            pltpu.VMEM((SEQ_PER_W,), jnp.int32),
            pltpu.SemaphoreType.DMA,
        ],
    )
    rows, lengths = f(table, text_flat, text_t, pos2d)
    return (rows.reshape(BATCH, CTX, DIM), lengths)

# --- scband reference (transcript-rebuilt; emitter-appended) ---
"""Pipeline reference for scband-text-preprocessor-15788299780554 (READ-ONLY COPY).

The authoritative reference and input builder live on the scoring server;
editing this copy changes nothing except your own understanding.
"""

import jax, jax.numpy as jnp
import numpy as np

VOCAB = 100000
CTX = 200
DIM = 64
BATCH = 1024

def setup_inputs(seed: int = 0) -> dict:
    key = jax.random.key(seed)
    k1, k2, k3 = jax.random.split(key, 3)
    text = jax.random.randint(k1, (BATCH, CTX), 0, VOCAB, dtype=jnp.int64 if jax.config.jax_enable_x64 else jnp.int32)
    token_embedding = jax.random.normal(k2, (VOCAB, DIM), dtype=jnp.float32) * 0.02
    pos_embed = jax.random.normal(k3, (1, CTX, DIM), dtype=jnp.float32) * 0.01
    return {"text": text, "token_embedding": token_embedding, "pos_embed": pos_embed}

def reference(text, token_embedding, pos_embed):
    # token embedding lookup (gather)
    text_tokens = jnp.take(token_embedding, text, axis=0)  # [B, CTX, DIM]
    # num_cls_tokens == 0, causal_masking == False
    text_tokens = text_tokens + pos_embed
    # supply_seq_len_to_head: argmax over token ids per sequence
    text_lengths = jnp.argmax(text, axis=-1)
    return (text_tokens, text_lengths)

if __name__ == "__main__":
    import jax
    _d = setup_inputs()
    print(jax.jit(kernel)(*tuple(_d.values())))

</pallas_src>

<mosaic_0001>
#map = affine_map<(d0, d1) -> (0, 0)>
#map1 = affine_map<(d0, d1) -> (0)>
module attributes {stable_mosaic.version = 14 : i64} {
  func.func @_sc_body(%arg0: i32, %arg1: i32, %arg2: memref<100000x64xf32, #tpu.memory_space<hbm>>, %arg3: memref<204800xi32, #tpu.memory_space<hbm>>, %arg4: memref<204800xi32, #tpu.memory_space<hbm>>, %arg5: memref<200x64xf32, #tpu.memory_space<hbm>>, %arg6: memref<204800x64xf32, #tpu.memory_space<hbm>>, %arg7: memref<1024xi32, #tpu.memory_space<hbm>>, %arg8: memref<6400xi32, #tpu.memory_space<vmem>>, %arg9: memref<6400xi32, #tpu.memory_space<vmem>>, %arg10: memref<200x64xf32, #tpu.memory_space<vmem>>, %arg11: memref<200x64xf32, #tpu.memory_space<vmem>>, %arg12: memref<32xi32, #tpu.memory_space<vmem>>, %arg13: memref<!tpu.dma_semaphore, #tpu.memory_space<semaphore_mem>>) attributes {dimension_semantics = [#tpu.dimension_semantics<core_parallel>, #tpu.dimension_semantics<subcore_parallel>], iteration_bounds = array<i64: 2, 16>, scalar_prefetch = 0 : i64, scratch_operands = 6 : i64, tpu.core_type = #tpu.core_type<sc_vector_subcore>, window_params = [{transform_indices = #map}, {transform_indices = #map1}, {transform_indices = #map1}, {transform_indices = #map}, {transform_indices = #map}, {transform_indices = #map1}]} {
    %mul3A = arith.constant 2 : i32
    %mul3A_0 = arith.muli %arg1, %mul3A : i32
    %add3A = arith.addi %mul3A_0, %arg0 : i32
    %mul3A_1 = arith.constant 6400 : i32
    %mul3A_2 = arith.muli %add3A, %mul3A_1 : i32
    %mul3A_3 = arith.constant 32 : i32
    %mul3A_4 = arith.muli %add3A, %mul3A_3 : i32
    "tpu.region"() ({
      %run_scoped3A = tpu.sem_alloc : memref<!tpu.dma_semaphore, #tpu.memory_space<semaphore_mem>>
      %dma_start3A = tpu.memref_slice %arg3[%mul3A_2] : memref<204800xi32, #tpu.memory_space<hbm>> -> memref<6400xi32, #tpu.memory_space<hbm>>
      %dma_start3A_34 = tpu.memref_slice %arg3[%mul3A_2] : memref<204800xi32, #tpu.memory_space<hbm>> -> memref<6400xi32, #tpu.memory_space<hbm>>
      tpu.enqueue_dma source(%dma_start3A_34 : memref<6400xi32, #tpu.memory_space<hbm>>) target(%arg8 : memref<6400xi32, #tpu.memory_space<vmem>>) target_semaphore(%run_scoped3A : memref<!tpu.dma_semaphore, #tpu.memory_space<semaphore_mem>>)
      %dma_wait3A = tpu.memref_slice %arg3[%mul3A_2] : memref<204800xi32, #tpu.memory_space<hbm>> -> memref<6400xi32, #tpu.memory_space<hbm>>
      %dma_wait3A_35 = tpu.memref_slice %arg3[%mul3A_2] : memref<204800xi32, #tpu.memory_space<hbm>> -> memref<6400xi32, #tpu.memory_space<hbm>>
      tpu.wait_dma2 semaphore(%run_scoped3A : memref<!tpu.dma_semaphore, #tpu.memory_space<semaphore_mem>>) src(%dma_wait3A_35 : memref<6400xi32, #tpu.memory_space<hbm>>) dst(%arg8 : memref<6400xi32, #tpu.memory_space<vmem>>)
      tpu.yield
    }) : () -> ()
    "tpu.region"() ({
      %run_scoped3A = tpu.sem_alloc : memref<!tpu.dma_semaphore, #tpu.memory_space<semaphore_mem>>
      %dma_start3A = tpu.memref_slice %arg4[%mul3A_2] : memref<204800xi32, #tpu.memory_space<hbm>> -> memref<6400xi32, #tpu.memory_space<hbm>>
      %dma_start3A_34 = tpu.memref_slice %arg4[%mul3A_2] : memref<204800xi32, #tpu.memory_space<hbm>> -> memref<6400xi32, #tpu.memory_space<hbm>>
      tpu.enqueue_dma source(%dma_start3A_34 : memref<6400xi32, #tpu.memory_space<hbm>>) target(%arg9 : memref<6400xi32, #tpu.memory_space<vmem>>) target_semaphore(%run_scoped3A : memref<!tpu.dma_semaphore, #tpu.memory_space<semaphore_mem>>)
      %dma_wait3A = tpu.memref_slice %arg4[%mul3A_2] : memref<204800xi32, #tpu.memory_space<hbm>> -> memref<6400xi32, #tpu.memory_space<hbm>>
      %dma_wait3A_35 = tpu.memref_slice %arg4[%mul3A_2] : memref<204800xi32, #tpu.memory_space<hbm>> -> memref<6400xi32, #tpu.memory_space<hbm>>
      tpu.wait_dma2 semaphore(%run_scoped3A : memref<!tpu.dma_semaphore, #tpu.memory_space<semaphore_mem>>) src(%dma_wait3A_35 : memref<6400xi32, #tpu.memory_space<hbm>>) dst(%arg9 : memref<6400xi32, #tpu.memory_space<vmem>>)
      tpu.yield
    }) : () -> ()
    "tpu.region"() ({
      %run_scoped3A = tpu.sem_alloc : memref<!tpu.dma_semaphore, #tpu.memory_space<semaphore_mem>>
      tpu.enqueue_dma source(%arg5 : memref<200x64xf32, #tpu.memory_space<hbm>>) target(%arg10 : memref<200x64xf32, #tpu.memory_space<vmem>>) target_semaphore(%run_scoped3A : memref<!tpu.dma_semaphore, #tpu.memory_space<semaphore_mem>>)
      tpu.wait_dma2 semaphore(%run_scoped3A : memref<!tpu.dma_semaphore, #tpu.memory_space<semaphore_mem>>) src(%arg5 : memref<200x64xf32, #tpu.memory_space<hbm>>) dst(%arg10 : memref<200x64xf32, #tpu.memory_space<vmem>>)
      tpu.yield
    }) : () -> ()
    %broadcast_in_dim3A = arith.constant -1 : i32
    %broadcast_in_dim3A_5 = vector.broadcast %broadcast_in_dim3A : i32 to vector<16xi32>
    %scan3A = arith.constant 0 : i32
    %scan3A_6 = arith.constant 200 : i32
    %scan3A_7 = arith.addi %scan3A, %scan3A_6 : i32
    %scan3A_8 = arith.constant 4 : i32
    %scan3A_9:2 = scf.for %scan3A_34 = %scan3A to %scan3A_7 step %scan3A_8 iter_args(%scan3A_35 = %broadcast_in_dim3A_5, %scan3A_36 = %broadcast_in_dim3A_5) -> (vector<16xi32>, vector<16xi32>)  : i32 {
      %mul3A_37 = arith.constant 32 : i32
      %mul3A_38 = arith.muli %scan3A_34, %mul3A_37 : i32
      %get3A = arith.index_cast %mul3A_38 : i32 to index
      %get3A_39 = tpu.vector_load %arg9[%get3A] {strides = array<i32>} : memref<6400xi32, #tpu.memory_space<vmem>>, vector<16xi32>,
      %get3A_40 = vector.shape_cast %get3A_39 : vector<16xi32> to vector<16xi32>
      %mul3A_41 = arith.constant 32 : i32
      %mul3A_42 = arith.muli %scan3A_34, %mul3A_41 : i32
      %add3A_43 = arith.constant 16 : i32
      %add3A_44 = arith.addi %mul3A_42, %add3A_43 : i32
      %get3A_45 = arith.index_cast %add3A_44 : i32 to index
      %get3A_46 = tpu.vector_load %arg9[%get3A_45] {strides = array<i32>} : memref<6400xi32, #tpu.memory_space<vmem>>, vector<16xi32>,
      %get3A_47 = vector.shape_cast %get3A_46 : vector<16xi32> to vector<16xi32>
      %sub3A_48 = arith.constant 255 : i32
      %sub3A_49 = arith.subi %sub3A_48, %scan3A_34 : i32
      %mul3A_50 = arith.constant 256 : i32
      %mul3A_51 = vector.broadcast %mul3A_50 : i32 to vector<16xi32>
      %mul3A_52 = arith.muli %get3A_40, %mul3A_51 : vector<16xi32>
      %add3A_53 = vector.broadcast %sub3A_49 : i32 to vector<16xi32>
      %add3A_54 = arith.addi %mul3A_52, %add3A_53 : vector<16xi32>
      %max3A = arith.maxsi %scan3A_35, %add3A_54 : vector<16xi32>
      %mul3A_55 = arith.constant 256 : i32
      %mul3A_56 = vector.broadcast %mul3A_55 : i32 to vector<16xi32>
      %mul3A_57 = arith.muli %get3A_47, %mul3A_56 : vector<16xi32>
      %add3A_58 = vector.broadcast %sub3A_49 : i32 to vector<16xi32>
      %add3A_59 = arith.addi %mul3A_57, %add3A_58 : vector<16xi32>
      %max3A_60 = arith.maxsi %scan3A_36, %add3A_59 : vector<16xi32>
      %scan3A_61 = arith.constant 1 : i32
      %scan3A_62 = arith.addi %scan3A_34, %scan3A_61 : i32
      %mul3A_63 = arith.constant 32 : i32
      %mul3A_64 = arith.muli %scan3A_62, %mul3A_63 : i32
      %get3A_65 = arith.index_cast %mul3A_64 : i32 to index
      %get3A_66 = tpu.vector_load %arg9[%get3A_65] {strides = array<i32>} : memref<6400xi32, #tpu.memory_space<vmem>>, vector<16xi32>,
      %get3A_67 = vector.shape_cast %get3A_66 : vector<16xi32> to vector<16xi32>
      %mul3A_68 = arith.constant 32 : i32
      %mul3A_69 = arith.muli %scan3A_62, %mul3A_68 : i32
      %add3A_70 = arith.constant 16 : i32
      %add3A_71 = arith.addi %mul3A_69, %add3A_70 : i32
      %get3A_72 = arith.index_cast %add3A_71 : i32 to index
      %get3A_73 = tpu.vector_load %arg9[%get3A_72] {strides = array<i32>} : memref<6400xi32, #tpu.memory_space<vmem>>, vector<16xi32>,
      %get3A_74 = vector.shape_cast %get3A_73 : vector<16xi32> to vector<16xi32>
      %sub3A_75 = arith.constant 255 : i32
      %sub3A_76 = arith.subi %sub3A_75, %scan3A_62 : i32
      %mul3A_77 = arith.constant 256 : i32
      %mul3A_78 = vector.broadcast %mul3A_77 : i32 to vector<16xi32>
      %mul3A_79 = arith.muli %get3A_67, %mul3A_78 : vector<16xi32>
      %add3A_80 = vector.broadcast %sub3A_76 : i32 to vector<16xi32>
      %add3A_81 = arith.addi %mul3A_79, %add3A_80 : vector<16xi32>
      %max3A_82 = arith.maxsi %max3A, %add3A_81 : vector<16xi32>
      %mul3A_83 = arith.constant 256 : i32
      %mul3A_84 = vector.broadcast %mul3A_83 : i32 to vector<16xi32>
      %mul3A_85 = arith.muli %get3A_74, %mul3A_84 : vector<16xi32>
      %add3A_86 = vector.broadcast %sub3A_76 : i32 to vector<16xi32>
      %add3A_87 = arith.addi %mul3A_85, %add3A_86 : vector<16xi32>
      %max3A_88 = arith.maxsi %max3A_60, %add3A_87 : vector<16xi32>
      %scan3A_89 = arith.constant 2 : i32
      %scan3A_90 = arith.addi %scan3A_34, %scan3A_89 : i32
      %mul3A_91 = arith.constant 32 : i32
      %mul3A_92 = arith.muli %scan3A_90, %mul3A_91 : i32
      %get3A_93 = arith.index_cast %mul3A_92 : i32 to index
      %get3A_94 = tpu.vector_load %arg9[%get3A_93] {strides = array<i32>} : memref<6400xi32, #tpu.memory_space<vmem>>, vector<16xi32>,
      %get3A_95 = vector.shape_cast %get3A_94 : vector<16xi32> to vector<16xi32>
      %mul3A_96 = arith.constant 32 : i32
      %mul3A_97 = arith.muli %scan3A_90, %mul3A_96 : i32
      %add3A_98 = arith.constant 16 : i32
      %add3A_99 = arith.addi %mul3A_97, %add3A_98 : i32
      %get3A_100 = arith.index_cast %add3A_99 : i32 to index
      %get3A_101 = tpu.vector_load %arg9[%get3A_100] {strides = array<i32>} : memref<6400xi32, #tpu.memory_space<vmem>>, vector<16xi32>,
      %get3A_102 = vector.shape_cast %get3A_101 : vector<16xi32> to vector<16xi32>
      %sub3A_103 = arith.constant 255 : i32
      %sub3A_104 = arith.subi %sub3A_103, %scan3A_90 : i32
      %mul3A_105 = arith.constant 256 : i32
      %mul3A_106 = vector.broadcast %mul3A_105 : i32 to vector<16xi32>
      %mul3A_107 = arith.muli %get3A_95, %mul3A_106 : vector<16xi32>
      %add3A_108 = vector.broadcast %sub3A_104 : i32 to vector<16xi32>
      %add3A_109 = arith.addi %mul3A_107, %add3A_108 : vector<16xi32>
      %max3A_110 = arith.maxsi %max3A_82, %add3A_109 : vector<16xi32>
      %mul3A_111 = arith.constant 256 : i32
      %mul3A_112 = vector.broadcast %mul3A_111 : i32 to vector<16xi32>
      %mul3A_113 = arith.muli %get3A_102, %mul3A_112 : vector<16xi32>
      %add3A_114 = vector.broadcast %sub3A_104 : i32 to vector<16xi32>
      %add3A_115 = arith.addi %mul3A_113, %add3A_114 : vector<16xi32>
      %max3A_116 = arith.maxsi %max3A_88, %add3A_115 : vector<16xi32>
      %scan3A_117 = arith.constant 3 : i32
      %scan3A_118 = arith.addi %scan3A_34, %scan3A_117 : i32
      %mul3A_119 = arith.constant 32 : i32
      %mul3A_120 = arith.muli %scan3A_118, %mul3A_119 : i32
      %get3A_121 = arith.index_cast %mul3A_120 : i32 to index
      %get3A_122 = tpu.vector_load %arg9[%get3A_121] {strides = array<i32>} : memref<6400xi32, #tpu.memory_space<vmem>>, vector<16xi32>,
      %get3A_123 = vector.shape_cast %get3A_122 : vector<16xi32> to vector<16xi32>
      %mul3A_124 = arith.constant 32 : i32
      %mul3A_125 = arith.muli %scan3A_118, %mul3A_124 : i32
      %add3A_126 = arith.constant 16 : i32
      %add3A_127 = arith.addi %mul3A_125, %add3A_126 : i32
      %get3A_128 = arith.index_cast %add3A_127 : i32 to index
      %get3A_129 = tpu.vector_load %arg9[%get3A_128] {strides = array<i32>} : memref<6400xi32, #tpu.memory_space<vmem>>, vector<16xi32>,
      %get3A_130 = vector.shape_cast %get3A_129 : vector<16xi32> to vector<16xi32>
      %sub3A_131 = arith.constant 255 : i32
      %sub3A_132 = arith.subi %sub3A_131, %scan3A_118 : i32
      %mul3A_133 = arith.constant 256 : i32
      %mul3A_134 = vector.broadcast %mul3A_133 : i32 to vector<16xi32>
      %mul3A_135 = arith.muli %get3A_123, %mul3A_134 : vector<16xi32>
      %add3A_136 = vector.broadcast %sub3A_132 : i32 to vector<16xi32>
      %add3A_137 = arith.addi %mul3A_135, %add3A_136 : vector<16xi32>
      %max3A_138 = arith.maxsi %max3A_110, %add3A_137 : vector<16xi32>
      %mul3A_139 = arith.constant 256 : i32
      %mul3A_140 = vector.broadcast %mul3A_139 : i32 to vector<16xi32>
      %mul3A_141 = arith.muli %get3A_130, %mul3A_140 : vector<16xi32>
      %add3A_142 = vector.broadcast %sub3A_132 : i32 to vector<16xi32>
      %add3A_143 = arith.addi %mul3A_141, %add3A_142 : vector<16xi32>
      %max3A_144 = arith.maxsi %max3A_116, %add3A_143 : vector<16xi32>
      scf.yield %max3A_138, %max3A_144 : vector<16xi32>, vector<16xi32>
    }
    %scan3A_10 = arith.constant 200 : i32
    %and3A = arith.constant 255 : i32
    %and3A_11 = vector.broadcast %and3A : i32 to vector<16xi32>
    %and3A_12 = arith.andi %scan3A_9#0, %and3A_11 : vector<16xi32>
    %sub3A = arith.constant 255 : i32
    %sub3A_13 = vector.broadcast %sub3A : i32 to vector<16xi32>
    %sub3A_14 = arith.subi %sub3A_13, %and3A_12 : vector<16xi32>
    %swap3A = arith.constant 0 : index
    %swap3A_15 = tpu.vector_load %arg12[%swap3A] {strides = array<i32>} : memref<32xi32, #tpu.memory_space<vmem>>, vector<16xi32>,
    %swap3A_16 = vector.shape_cast %swap3A_15 : vector<16xi32> to vector<16xi32>
    %swap3A_17 = vector.shape_cast %sub3A_14 : vector<16xi32> to vector<16xi32>
    tpu.vector_store %arg12[%swap3A], %swap3A_17 {strides = array<i32>} : memref<32xi32, #tpu.memory_space<vmem>>, vector<16xi32>,
    %and3A_18 = arith.constant 255 : i32
    %and3A_19 = vector.broadcast %and3A_18 : i32 to vector<16xi32>
    %and3A_20 = arith.andi %scan3A_9#1, %and3A_19 : vector<16xi32>
    %sub3A_21 = arith.constant 255 : i32
    %sub3A_22 = vector.broadcast %sub3A_21 : i32 to vector<16xi32>
    %sub3A_23 = arith.subi %sub3A_22, %and3A_20 : vector<16xi32>
    %swap3A_24 = arith.constant 16 : index
    %swap3A_25 = tpu.vector_load %arg12[%swap3A_24] {strides = array<i32>} : memref<32xi32, #tpu.memory_space<vmem>>, vector<16xi32>,
    %swap3A_26 = vector.shape_cast %swap3A_25 : vector<16xi32> to vector<16xi32>
    %swap3A_27 = vector.shape_cast %sub3A_23 : vector<16xi32> to vector<16xi32>
    tpu.vector_store %arg12[%swap3A_24], %swap3A_27 {strides = array<i32>} : memref<32xi32, #tpu.memory_space<vmem>>, vector<16xi32>,
    "tpu.region"() ({
      %run_scoped3A = tpu.sem_alloc : memref<!tpu.dma_semaphore, #tpu.memory_space<semaphore_mem>>
      %dma_start3A = tpu.memref_slice %arg7[%mul3A_4] : memref<1024xi32, #tpu.memory_space<hbm>> -> memref<32xi32, #tpu.memory_space<hbm>>
      %dma_start3A_34 = tpu.memref_slice %arg7[%mul3A_4] : memref<1024xi32, #tpu.memory_space<hbm>> -> memref<32xi32, #tpu.memory_space<hbm>>
      tpu.enqueue_dma source(%arg12 : memref<32xi32, #tpu.memory_space<vmem>>) target(%dma_start3A_34 : memref<32xi32, #tpu.memory_space<hbm>>) target_semaphore(%run_scoped3A : memref<!tpu.dma_semaphore, #tpu.memory_space<semaphore_mem>>)
      %dma_wait3A = tpu.memref_slice %arg7[%mul3A_4] : memref<1024xi32, #tpu.memory_space<hbm>> -> memref<32xi32, #tpu.memory_space<hbm>>
      %dma_wait3A_35 = tpu.memref_slice %arg7[%mul3A_4] : memref<1024xi32, #tpu.memory_space<hbm>> -> memref<32xi32, #tpu.memory_space<hbm>>
      tpu.wait_dma2 semaphore(%run_scoped3A : memref<!tpu.dma_semaphore, #tpu.memory_space<semaphore_mem>>) src(%arg12 : memref<32xi32, #tpu.memory_space<vmem>>) dst(%dma_wait3A_35 : memref<32xi32, #tpu.memory_space<hbm>>)
      tpu.yield
    }) : () -> ()
    %scan3A_28 = arith.constant 0 : i32
    %scan3A_29 = arith.constant 0 : i32
    %scan3A_30 = arith.constant 32 : i32
    %scan3A_31 = arith.addi %scan3A_29, %scan3A_30 : i32
    %scan3A_32 = arith.constant 1 : i32
    scf.for %scan3A_34 = %scan3A_29 to %scan3A_31 step %scan3A_32  : i32 {
      %mul3A_35 = arith.constant 200 : i32
      %mul3A_36 = arith.muli %scan3A_34, %mul3A_35 : i32
      %dma_start3A = arith.constant 0 : i32
      %dma_start3A_37 = arith.constant 0 : i32
      %dma_start3A_38 = tpu.memref_slice %arg11[%dma_start3A, %dma_start3A_37] : memref<200x64xf32, #tpu.memory_space<vmem>> -> memref<128x64xf32, #tpu.memory_space<vmem>>
      %dma_start3A_39 = tpu.memref_slice %arg8[%mul3A_36] : memref<6400xi32, #tpu.memory_space<vmem>> -> memref<128xi32, #tpu.memory_space<vmem>>
      %dma_start3A_40 = arith.constant 0 : i32
      %dma_start3A_41 = arith.constant 0 : i32
      %dma_start3A_42 = tpu.memref_slice %arg2[%dma_start3A_40, %dma_start3A_41] : memref<100000x64xf32, #tpu.memory_space<hbm>> -> memref<100000x64xf32, #tpu.memory_space<hbm>>
      tpu.enqueue_indirect_dma source(%dma_start3A_42 : memref<100000x64xf32, #tpu.memory_space<hbm>>) target(%dma_start3A_38 : memref<128x64xf32, #tpu.memory_space<vmem>>) offsets(%dma_start3A_39 : memref<128xi32, #tpu.memory_space<vmem>>) semaphore(%arg13 : memref<!tpu.dma_semaphore, #tpu.memory_space<semaphore_mem>>)
      %mul3A_43 = arith.constant 200 : i32
      %mul3A_44 = arith.muli %scan3A_34, %mul3A_43 : i32
      %add3A_45 = arith.constant 128 : i32
      %add3A_46 = arith.addi %mul3A_44, %add3A_45 : i32
      %dma_start3A_47 = arith.constant 128 : i32
      %dma_start3A_48 = arith.constant 0 : i32
      %dma_start3A_49 = tpu.memref_slice %arg11[%dma_start3A_47, %dma_start3A_48] : memref<200x64xf32, #tpu.memory_space<vmem>> -> memref<72x64xf32, #tpu.memory_space<vmem>>
      %dma_start3A_50 = tpu.memref_slice %arg8[%add3A_46] : memref<6400xi32, #tpu.memory_space<vmem>> -> memref<72xi32, #tpu.memory_space<vmem>>
      %dma_start3A_51 = arith.constant 0 : i32
      %dma_start3A_52 = arith.constant 0 : i32
      %dma_start3A_53 = tpu.memref_slice %arg2[%dma_start3A_51, %dma_start3A_52] : memref<100000x64xf32, #tpu.memory_space<hbm>> -> memref<100000x64xf32, #tpu.memory_space<hbm>>
      tpu.enqueue_indirect_dma source(%dma_start3A_53 : memref<100000x64xf32, #tpu.memory_space<hbm>>) target(%dma_start3A_49 : memref<72x64xf32, #tpu.memory_space<vmem>>) offsets(%dma_start3A_50 : memref<72xi32, #tpu.memory_space<vmem>>) semaphore(%arg13 : memref<!tpu.dma_semaphore, #tpu.memory_space<semaphore_mem>>)
      %dma_wait3A = arith.constant 0 : i32
      %dma_wait3A_54 = arith.constant 0 : i32
      %dma_wait3A_55 = tpu.memref_slice %arg11[%dma_wait3A, %dma_wait3A_54] : memref<200x64xf32, #tpu.memory_space<vmem>> -> memref<128x64xf32, #tpu.memory_space<vmem>>
      %dma_wait3A_56 = tpu.memref_slice %arg8[%mul3A_36] : memref<6400xi32, #tpu.memory_space<vmem>> -> memref<128xi32, #tpu.memory_space<vmem>>
      %dma_wait3A_57 = arith.constant 0 : i32
      %dma_wait3A_58 = arith.constant 0 : i32
      %dma_wait3A_59 = tpu.memref_slice %arg2[%dma_wait3A_57, %dma_wait3A_58] : memref<100000x64xf32, #tpu.memory_space<hbm>> -> memref<100000x64xf32, #tpu.memory_space<hbm>>
      tpu.wait_indirect_dma semaphore(%arg13 : memref<!tpu.dma_semaphore, #tpu.memory_space<semaphore_mem>>) src(%dma_wait3A_59 : memref<100000x64xf32, #tpu.memory_space<hbm>>) dst(%dma_wait3A_55 : memref<128x64xf32, #tpu.memory_space<vmem>>)
      %dma_wait3A_60 = arith.constant 128 : i32
      %dma_wait3A_61 = arith.constant 0 : i32
      %dma_wait3A_62 = tpu.memref_slice %arg11[%dma_wait3A_60, %dma_wait3A_61] : memref<200x64xf32, #tpu.memory_space<vmem>> -> memref<72x64xf32, #tpu.memory_space<vmem>>
      %dma_wait3A_63 = tpu.memref_slice %arg8[%add3A_46] : memref<6400xi32, #tpu.memory_space<vmem>> -> memref<72xi32, #tpu.memory_space<vmem>>
      %dma_wait3A_64 = arith.constant 0 : i32
      %dma_wait3A_65 = arith.constant 0 : i32
      %dma_wait3A_66 = tpu.memref_slice %arg2[%dma_wait3A_64, %dma_wait3A_65] : memref<100000x64xf32, #tpu.memory_space<hbm>> -> memref<100000x64xf32, #tpu.memory_space<hbm>>
      tpu.wait_indirect_dma semaphore(%arg13 : memref<!tpu.dma_semaphore, #tpu.memory_space<semaphore_mem>>) src(%dma_wait3A_66 : memref<100000x64xf32, #tpu.memory_space<hbm>>) dst(%dma_wait3A_62 : memref<72x64xf32, #tpu.memory_space<vmem>>)
      %scan3A_67 = arith.constant 0 : i32
      %scan3A_68 = arith.constant 0 : i32
      %scan3A_69 = arith.constant 200 : i32
      %scan3A_70 = arith.addi %scan3A_68, %scan3A_69 : i32
      %scan3A_71 = arith.constant 2 : i32
      scf.for %scan3A_76 = %scan3A_68 to %scan3A_70 step %scan3A_71  : i32 {
        %get3A = arith.index_cast %scan3A_76 : i32 to index
        %get3A_77 = arith.constant 0 : index
        %get3A_78 = tpu.vector_load %arg11[%get3A, %get3A_77] {strides = array<i32>} : memref<200x64xf32, #tpu.memory_space<vmem>>, vector<1x16xf32>,
        %get3A_79 = vector.shape_cast %get3A_78 : vector<1x16xf32> to vector<16xf32>
        %get3A_80 = arith.index_cast %scan3A_76 : i32 to index
        %get3A_81 = arith.constant 0 : index
        %get3A_82 = tpu.vector_load %arg10[%get3A_80, %get3A_81] {strides = array<i32>} : memref<200x64xf32, #tpu.memory_space<vmem>>, vector<1x16xf32>,
        %get3A_83 = vector.shape_cast %get3A_82 : vector<1x16xf32> to vector<16xf32>
        %add3A_84 = arith.addf %get3A_79, %get3A_83 : vector<16xf32>
        %swap3A_85 = arith.index_cast %scan3A_76 : i32 to index
        %swap3A_86 = arith.constant 0 : index
        %swap3A_87 = tpu.vector_load %arg11[%swap3A_85, %swap3A_86] {strides = array<i32>} : memref<200x64xf32, #tpu.memory_space<vmem>>, vector<1x16xf32>,
        %swap3A_88 = vector.shape_cast %swap3A_87 : vector<1x16xf32> to vector<16xf32>
        %swap3A_89 = vector.shape_cast %add3A_84 : vector<16xf32> to vector<1x16xf32>
        tpu.vector_store %arg11[%swap3A_85, %swap3A_86], %swap3A_89 {strides = array<i32>} : memref<200x64xf32, #tpu.memory_space<vmem>>, vector<1x16xf32>,
        %get3A_90 = arith.index_cast %scan3A_76 : i32 to index
        %get3A_91 = arith.constant 16 : index
        %get3A_92 = tpu.vector_load %arg11[%get3A_90, %get3A_91] {strides = array<i32>} : memref<200x64xf32, #tpu.memory_space<vmem>>, vector<1x16xf32>,
        %get3A_93 = vector.shape_cast %get3A_92 : vector<1x16xf32> to vector<16xf32>
        %get3A_94 = arith.index_cast %scan3A_76 : i32 to index
        %get3A_95 = arith.constant 16 : index
        %get3A_96 = tpu.vector_load %arg10[%get3A_94, %get3A_95] {strides = array<i32>} : memref<200x64xf32, #tpu.memory_space<vmem>>, vector<1x16xf32>,
        %get3A_97 = vector.shape_cast %get3A_96 : vector<1x16xf32> to vector<16xf32>
        %add3A_98 = arith.addf %get3A_93, %get3A_97 : vector<16xf32>
        %swap3A_99 = arith.index_cast %scan3A_76 : i32 to index
        %swap3A_100 = arith.constant 16 : index
        %swap3A_101 = tpu.vector_load %arg11[%swap3A_99, %swap3A_100] {strides = array<i32>} : memref<200x64xf32, #tpu.memory_space<vmem>>, vector<1x16xf32>,
        %swap3A_102 = vector.shape_cast %swap3A_101 : vector<1x16xf32> to vector<16xf32>
        %swap3A_103 = vector.shape_cast %add3A_98 : vector<16xf32> to vector<1x16xf32>
        tpu.vector_store %arg11[%swap3A_99, %swap3A_100], %swap3A_103 {strides = array<i32>} : memref<200x64xf32, #tpu.memory_space<vmem>>, vector<1x16xf32>,
        %get3A_104 = arith.index_cast %scan3A_76 : i32 to index
        %get3A_105 = arith.constant 32 : index
        %get3A_106 = tpu.vector_load %arg11[%get3A_104, %get3A_105] {strides = array<i32>} : memref<200x64xf32, #tpu.memory_space<vmem>>, vector<1x16xf32>,
        %get3A_107 = vector.shape_cast %get3A_106 : vector<1x16xf32> to vector<16xf32>
        %get3A_108 = arith.index_cast %scan3A_76 : i32 to index
        %get3A_109 = arith.constant 32 : index
        %get3A_110 = tpu.vector_load %arg10[%get3A_108, %get3A_109] {strides = array<i32>} : memref<200x64xf32, #tpu.memory_space<vmem>>, vector<1x16xf32>,
        %get3A_111 = vector.shape_cast %get3A_110 : vector<1x16xf32> to vector<16xf32>
        %add3A_112 = arith.addf %get3A_107, %get3A_111 : vector<16xf32>
        %swap3A_113 = arith.index_cast %scan3A_76 : i32 to index
        %swap3A_114 = arith.constant 32 : index
        %swap3A_115 = tpu.vector_load %arg11[%swap3A_113, %swap3A_114] {strides = array<i32>} : memref<200x64xf32, #tpu.memory_space<vmem>>, vector<1x16xf32>,
        %swap3A_116 = vector.shape_cast %swap3A_115 : vector<1x16xf32> to vector<16xf32>
        %swap3A_117 = vector.shape_cast %add3A_112 : vector<16xf32> to vector<1x16xf32>
        tpu.vector_store %arg11[%swap3A_113, %swap3A_114], %swap3A_117 {strides = array<i32>} : memref<200x64xf32, #tpu.memory_space<vmem>>, vector<1x16xf32>,
        %get3A_118 = arith.index_cast %scan3A_76 : i32 to index
        %get3A_119 = arith.constant 48 : index
        %get3A_120 = tpu.vector_load %arg11[%get3A_118, %get3A_119] {strides = array<i32>} : memref<200x64xf32, #tpu.memory_space<vmem>>, vector<1x16xf32>,
        %get3A_121 = vector.shape_cast %get3A_120 : vector<1x16xf32> to vector<16xf32>
        %get3A_122 = arith.index_cast %scan3A_76 : i32 to index
        %get3A_123 = arith.constant 48 : index
        %get3A_124 = tpu.vector_load %arg10[%get3A_122, %get3A_123] {strides = array<i32>} : memref<200x64xf32, #tpu.memory_space<vmem>>, vector<1x16xf32>,
        %get3A_125 = vector.shape_cast %get3A_124 : vector<1x16xf32> to vector<16xf32>
        %add3A_126 = arith.addf %get3A_121, %get3A_125 : vector<16xf32>
        %swap3A_127 = arith.index_cast %scan3A_76 : i32 to index
        %swap3A_128 = arith.constant 48 : index
        %swap3A_129 = tpu.vector_load %arg11[%swap3A_127, %swap3A_128] {strides = array<i32>} : memref<200x64xf32, #tpu.memory_space<vmem>>, vector<1x16xf32>,
        %swap3A_130 = vector.shape_cast %swap3A_129 : vector<1x16xf32> to vector<16xf32>
        %swap3A_131 = vector.shape_cast %add3A_126 : vector<16xf32> to vector<1x16xf32>
        tpu.vector_store %arg11[%swap3A_127, %swap3A_128], %swap3A_131 {strides = array<i32>} : memref<200x64xf32, #tpu.memory_space<vmem>>, vector<1x16xf32>,
        %scan3A_132 = arith.constant 1 : i32
        %scan3A_133 = arith.addi %scan3A_76, %scan3A_132 : i32
        %get3A_134 = arith.index_cast %scan3A_133 : i32 to index
        %get3A_135 = arith.constant 0 : index
        %get3A_136 = tpu.vector_load %arg11[%get3A_134, %get3A_135] {strides = array<i32>} : memref<200x64xf32, #tpu.memory_space<vmem>>, vector<1x16xf32>,
        %get3A_137 = vector.shape_cast %get3A_136 : vector<1x16xf32> to vector<16xf32>
        %get3A_138 = arith.index_cast %scan3A_133 : i32 to index
        %get3A_139 = arith.constant 0 : index
        %get3A_140 = tpu.vector_load %arg10[%get3A_138, %get3A_139] {strides = array<i32>} : memref<200x64xf32, #tpu.memory_space<vmem>>, vector<1x16xf32>,
        %get3A_141 = vector.shape_cast %get3A_140 : vector<1x16xf32> to vector<16xf32>
        %add3A_142 = arith.addf %get3A_137, %get3A_141 : vector<16xf32>
        %swap3A_143 = arith.index_cast %scan3A_133 : i32 to index
        %swap3A_144 = arith.constant 0 : index
        %swap3A_145 = tpu.vector_load %arg11[%swap3A_143, %swap3A_144] {strides = array<i32>} : memref<200x64xf32, #tpu.memory_space<vmem>>, vector<1x16xf32>,
        %swap3A_146 = vector.shape_cast %swap3A_145 : vector<1x16xf32> to vector<16xf32>
        %swap3A_147 = vector.shape_cast %add3A_142 : vector<16xf32> to vector<1x16xf32>
        tpu.vector_store %arg11[%swap3A_143, %swap3A_144], %swap3A_147 {strides = array<i32>} : memref<200x64xf32, #tpu.memory_space<vmem>>, vector<1x16xf32>,
        %get3A_148 = arith.index_cast %scan3A_133 : i32 to index
        %get3A_149 = arith.constant 16 : index
        %get3A_150 = tpu.vector_load %arg11[%get3A_148, %get3A_149] {strides = array<i32>} : memref<200x64xf32, #tpu.memory_space<vmem>>, vector<1x16xf32>,
        %get3A_151 = vector.shape_cast %get3A_150 : vector<1x16xf32> to vector<16xf32>
        %get3A_152 = arith.index_cast %scan3A_133 : i32 to index
        %get3A_153 = arith.constant 16 : index
        %get3A_154 = tpu.vector_load %arg10[%get3A_152, %get3A_153] {strides = array<i32>} : memref<200x64xf32, #tpu.memory_space<vmem>>, vector<1x16xf32>,
        %get3A_155 = vector.shape_cast %get3A_154 : vector<1x16xf32> to vector<16xf32>
        %add3A_156 = arith.addf %get3A_151, %get3A_155 : vector<16xf32>
        %swap3A_157 = arith.index_cast %scan3A_133 : i32 to index
        %swap3A_158 = arith.constant 16 : index
        %swap3A_159 = tpu.vector_load %arg11[%swap3A_157, %swap3A_158] {strides = array<i32>} : memref<200x64xf32, #tpu.memory_space<vmem>>, vector<1x16xf32>,
        %swap3A_160 = vector.shape_cast %swap3A_159 : vector<1x16xf32> to vector<16xf32>
        %swap3A_161 = vector.shape_cast %add3A_156 : vector<16xf32> to vector<1x16xf32>
        tpu.vector_store %arg11[%swap3A_157, %swap3A_158], %swap3A_161 {strides = array<i32>} : memref<200x64xf32, #tpu.memory_space<vmem>>, vector<1x16xf32>,
        %get3A_162 = arith.index_cast %scan3A_133 : i32 to index
        %get3A_163 = arith.constant 32 : index
        %get3A_164 = tpu.vector_load %arg11[%get3A_162, %get3A_163] {strides = array<i32>} : memref<200x64xf32, #tpu.memory_space<vmem>>, vector<1x16xf32>,
        %get3A_165 = vector.shape_cast %get3A_164 : vector<1x16xf32> to vector<16xf32>
        %get3A_166 = arith.index_cast %scan3A_133 : i32 to index
        %get3A_167 = arith.constant 32 : index
        %get3A_168 = tpu.vector_load %arg10[%get3A_166, %get3A_167] {strides = array<i32>} : memref<200x64xf32, #tpu.memory_space<vmem>>, vector<1x16xf32>,
        %get3A_169 = vector.shape_cast %get3A_168 : vector<1x16xf32> to vector<16xf32>
        %add3A_170 = arith.addf %get3A_165, %get3A_169 : vector<16xf32>
        %swap3A_171 = arith.index_cast %scan3A_133 : i32 to index
        %swap3A_172 = arith.constant 32 : index
        %swap3A_173 = tpu.vector_load %arg11[%swap3A_171, %swap3A_172] {strides = array<i32>} : memref<200x64xf32, #tpu.memory_space<vmem>>, vector<1x16xf32>,
        %swap3A_174 = vector.shape_cast %swap3A_173 : vector<1x16xf32> to vector<16xf32>
        %swap3A_175 = vector.shape_cast %add3A_170 : vector<16xf32> to vector<1x16xf32>
        tpu.vector_store %arg11[%swap3A_171, %swap3A_172], %swap3A_175 {strides = array<i32>} : memref<200x64xf32, #tpu.memory_space<vmem>>, vector<1x16xf32>,
        %get3A_176 = arith.index_cast %scan3A_133 : i32 to index
        %get3A_177 = arith.constant 48 : index
        %get3A_178 = tpu.vector_load %arg11[%get3A_176, %get3A_177] {strides = array<i32>} : memref<200x64xf32, #tpu.memory_space<vmem>>, vector<1x16xf32>,
        %get3A_179 = vector.shape_cast %get3A_178 : vector<1x16xf32> to vector<16xf32>
        %get3A_180 = arith.index_cast %scan3A_133 : i32 to index
        %get3A_181 = arith.constant 48 : index
        %get3A_182 = tpu.vector_load %arg10[%get3A_180, %get3A_181] {strides = array<i32>} : memref<200x64xf32, #tpu.memory_space<vmem>>, vector<1x16xf32>,
        %get3A_183 = vector.shape_cast %get3A_182 : vector<1x16xf32> to vector<16xf32>
        %add3A_184 = arith.addf %get3A_179, %get3A_183 : vector<16xf32>
        %swap3A_185 = arith.index_cast %scan3A_133 : i32 to index
        %swap3A_186 = arith.constant 48 : index
        %swap3A_187 = tpu.vector_load %arg11[%swap3A_185, %swap3A_186] {strides = array<i32>} : memref<200x64xf32, #tpu.memory_space<vmem>>, vector<1x16xf32>,
        %swap3A_188 = vector.shape_cast %swap3A_187 : vector<1x16xf32> to vector<16xf32>
        %swap3A_189 = vector.shape_cast %add3A_184 : vector<16xf32> to vector<1x16xf32>
        tpu.vector_store %arg11[%swap3A_185, %swap3A_186], %swap3A_189 {strides = array<i32>} : memref<200x64xf32, #tpu.memory_space<vmem>>, vector<1x16xf32>,
      }
      %scan3A_72 = arith.constant 200 : i32
      %mul3A_73 = arith.constant 200 : i32
      %mul3A_74 = arith.muli %scan3A_34, %mul3A_73 : i32
      %add3A_75 = arith.addi %mul3A_2, %mul3A_74 : i32
      "tpu.region"() ({
        %run_scoped3A = tpu.sem_alloc : memref<!tpu.dma_semaphore, #tpu.memory_space<semaphore_mem>>
        %dma_start3A_76 = arith.constant 0 : i32
        %dma_start3A_77 = tpu.memref_slice %arg6[%add3A_75, %dma_start3A_76] : memref<204800x64xf32, #tpu.memory_space<hbm>> -> memref<200x64xf32, #tpu.memory_space<hbm>>
        %dma_start3A_78 = arith.constant 0 : i32
        %dma_start3A_79 = tpu.memref_slice %arg6[%add3A_75, %dma_start3A_78] : memref<204800x64xf32, #tpu.memory_space<hbm>> -> memref<200x64xf32, #tpu.memory_space<hbm>>
        tpu.enqueue_dma source(%arg11 : memref<200x64xf32, #tpu.memory_space<vmem>>) target(%dma_start3A_79 : memref<200x64xf32, #tpu.memory_space<hbm>>) target_semaphore(%run_scoped3A : memref<!tpu.dma_semaphore, #tpu.memory_space<semaphore_mem>>)
        %dma_wait3A_80 = arith.constant 0 : i32
        %dma_wait3A_81 = tpu.memref_slice %arg6[%add3A_75, %dma_wait3A_80] : memref<204800x64xf32, #tpu.memory_space<hbm>> -> memref<200x64xf32, #tpu.memory_space<hbm>>
        %dma_wait3A_82 = arith.constant 0 : i32
        %dma_wait3A_83 = tpu.memref_slice %arg6[%add3A_75, %dma_wait3A_82] : memref<204800x64xf32, #tpu.memory_space<hbm>> -> memref<200x64xf32, #tpu.memory_space<hbm>>
        tpu.wait_dma2 semaphore(%run_scoped3A : memref<!tpu.dma_semaphore, #tpu.memory_space<semaphore_mem>>) src(%arg11 : memref<200x64xf32, #tpu.memory_space<vmem>>) dst(%dma_wait3A_83 : memref<200x64xf32, #tpu.memory_space<hbm>>)
        tpu.yield
      }) : () -> ()
    }
    %scan3A_33 = arith.constant 32 : i32
    return
  }
}

</mosaic_0001>

<sc_bundles>
// kernel: kernel.3.cloned.1.call-start
scs
__scs_entry_jumppad:
0x0: {  	(pc) =	sbr.rel $0x88, $3  }
0x1: {  	(tag) =	ssettag $0x0;
	lr =	simm.s32 $0x1  }
0x2: {  	[smem:$0x3F9E] =	sst lr;
	_ =	strace $0xD0000000  }
0x3: {  	_ = 	snop  }
0x4: {  	_ = 	snop  }
0x5: {  	_ = 	snop  }
0x6: {  	_ = 	snop  }
0x7: {  	_ = 	snop  }
__scs_overlays_trampoline_lowered:
0x8: {  	[smem:$0x3FAD] =	sst s0  }
0x9: {  	[smem:$0x3FAE] =	sst s1  }
0xa: {  	[smem:$0x3FAF] =	sst s2  }
0xb: {  	[smem:$0x3FB0] =	sst s3  }
0xc: {  	[smem:$0x3FB1] =	sst s4  }
0xd: {  	[smem:$0x3FB2] =	sst s5  }
0xe: {  	[smem:$0x3FB3] =	sst s6  }
0xf: {  	[smem:$0x3FB4] =	sst s7  }
0x10: {  	[smem:$0x3FB5] =	sst s8  }
0x11: {  	[smem:$0x3FB6] =	sst s9;
	s0 =	simm.s32 @!p0 $0x0  }
0x12: {  	s1 =	sld [smem:$0x3F9C];
	s0 =	simm.s32 @p0 $0x1  }
0x13: {  	[smem:$0x3FB7] =	sst s0;
	s0 =	simm.s32 @!p1 $0x0  }
0x14: {  	s2 =	sld [smem:$0x3F9B];
	s0 =	simm.s32 @p1 $0x1  }
0x15: {  	[smem:$0x3FB8] =	sst s0;
	s0 =	simm.s32 @!p2 $0x0  }
0x16: {  	s3 =	sld [smem:$0x3FDB];
	s0 =	simm.s32 @p2 $0x1  }
0x17: {  	s4 =	simm.s32 $0x1BF5;
	[smem:$0x3FBA] =	sst s0  }
0x18: {  	s0 =	sld [smem:$0x3F9D];
	_ =	swait.ge [sflag:s4], $0x0  }
0x19: {  	s7 =	sld [smem:$0x3F9E]  }
0x1a: {  	s8 =	sadd.s32 $0xFFFFE003, lr  }
0x1b: {  	s9 =	sadd.s32 $0xFFFFFEF7, lr;
	s5 =	simm.s32 $0xFFFFFFFF;
	p2 =	slt.u32 s8, $0xFFFFF086  }
0x1c: {  	p1 =	slt.u32 s9, $0xF7A;
	s5 =	simm.s32 @!p2 $0x0  }
0x1d: {  	s5 =	simm.s32 @p1 $0x1;
	p0 =	seq.s32 s7, s2  }
0x1e: {  	s7 =	smul.u32 @!p0 $0xF7A, s2;
	p2 =	seq.s32 @!p0 s5, $0x0  }
0x1f: {  	s9 =	smul.u32 $0xF7A, s1;
	s8 =	simm.s32 @!p0 $0x1BF5;
	p2 =	por !p2, p0  }
0x20: {  	[sflag:s8] =	ssyncset.s32 @!p0 $0xFFFFF086;
	s6 =	sadd.s32 @!p0 s3, s7;
	s7 =	simm.s32 @!p0 $0x108  }
0x21: {  	s3 =	sadd.s32 s3, s9;
	s6 =	sadd.s32 @!p0 $0x88, s6;
	s7 =	simm.s32 @p2 $0x1082  }
0x22: {  	[simem:s7], [sflag:s8] =	dma.local @!p0 [hbm:s6], $0xF7A  }
0x23: {  	s9 =	sor.u32 $0xD0000000, s2;
	s6 =	simm.s32 $0x108;
	_ =	swait.ge @!p0 [sflag:s8], $0x0  }
0x24: {  	s3 =	sadd.s32 $0x88, s3;
	s6 =	simm.s32 @!p1 $0x1082;
	[sflag:s4] =	ssyncset.s32 $0xFFFFF086  }
0x25: {  	[simem:s6], [sflag:s4] =	dma.local [hbm:s3], $0xF7A  }
0x26: {  	[smem:$0x3F9E] =	sst s1;
	(tag) =	ssettag s2;
	_ =	strace s9  }
0x27: {  	s1 =	sld [smem:$0x3FAE]  }
0x28: {  	s2 =	sld [smem:$0x3FAF]  }
0x29: {  	s4 =	sld [smem:$0x3FB1]  }
0x2a: {  	p0 =	seq.s32 s5, $0x0;
	s5 =	sld [smem:$0x3FB2]  }
0x2b: {  	s6 =	sld [smem:$0x3FB3]  }
0x2c: {  	s7 =	sld [smem:$0x3FB4]  }
0x2d: {  	s3 =	simm.s32 $0x108;
	s8 =	sld [smem:$0x3FB5]  }
0x2e: {  	s3 =	simm.s32 @!p0 $0x1082;
	s9 =	sld [smem:$0x3FB6]  }
0x2f: {  	lr =	sadd.s32 s0, s3;
	s0 =	sld [smem:$0x3FAD]  }
0x30: {  	s3 =	sld [smem:$0x3FB0]  }
0x31: {  	[smem:$0x3FB9] =	sst s10  }
0x32: {  	s10 =	sld [smem:$0x3FB7];
	_ =	sdelay $0x3  }
0x33: {  	p0 =	seq.s32 s10, $0x1;
	s10 =	sld [smem:$0x3FB9];
	_ =	sdelay $0x3  }
0x34: {  	[smem:$0x3FB9] =	sst s10  }
0x35: {  	s10 =	sld [smem:$0x3FB8];
	_ =	sdelay $0x3  }
0x36: {  	p1 =	seq.s32 s10, $0x1;
	s10 =	sld [smem:$0x3FB9];
	_ =	sdelay $0x3  }
0x37: {  	[smem:$0x3FB9] =	sst s10  }
0x38: {  	s10 =	sld [smem:$0x3FBA]  }
0x39: {  	_ = 	snop;
	(pc) =	sbr.ind lr, $3  }
0x3a: {  	_ = 	snop  }
0x3b: {  	_ = 	snop  }
0x3c: {  	p2 =	seq.s32 s10, $0x1;
	s10 =	sld [smem:$0x3FB9]  }
0x3d: {  	_ =	shalt  }
0x3e: {  	_ =	shalt  }
0x3f: {  	_ =	shalt  }
0x40: {  	_ =	shalt  }
0x41: {  	_ =	shalt  }
0x42: {  	_ =	shalt  }
0x43: {  	_ =	shalt  }
0x44: {  	_ =	shalt  }
0x45: {  	_ =	shalt  }
0x46: {  	_ =	shalt  }
0x47: {  	_ =	shalt  }
0x48: {  	_ =	shalt  }
0x49: {  	_ =	shalt  }
0x4a: {  	_ =	shalt  }
0x4b: {  	_ =	shalt  }
0x4c: {  	_ =	shalt  }
0x4d: {  	_ =	shalt  }
0x4e: {  	_ =	shalt  }
0x4f: {  	_ =	shalt  }
0x50: {  	_ =	shalt  }
0x51: {  	_ =	shalt  }
0x52: {  	_ =	shalt  }
0x53: {  	_ =	shalt  }
0x54: {  	_ =	shalt  }
0x55: {  	_ =	shalt  }
0x56: {  	_ =	shalt  }
0x57: {  	_ =	shalt  }
0x58: {  	_ =	shalt  }
0x59: {  	_ =	shalt  }
0x5a: {  	_ =	shalt  }
0x5b: {  	_ =	shalt  }
0x5c: {  	_ =	shalt  }
0x5d: {  	_ =	shalt  }
0x5e: {  	_ =	shalt  }
0x5f: {  	_ =	shalt  }
0x60: {  	_ =	shalt  }
0x61: {  	_ =	shalt  }
0x62: {  	_ =	shalt  }
0x63: {  	_ =	shalt  }
0x64: {  	_ =	shalt  }
0x65: {  	_ =	shalt  }
0x66: {  	_ =	shalt  }
0x67: {  	_ =	shalt  }
0x68: {  	_ =	shalt  }
0x69: {  	_ =	shalt  }
0x6a: {  	_ =	shalt  }
0x6b: {  	_ =	shalt  }
0x6c: {  	_ =	shalt  }
0x6d: {  	_ =	shalt  }
0x6e: {  	_ =	shalt  }
0x6f: {  	_ =	shalt  }
0x70: {  	_ =	shalt  }
0x71: {  	_ =	shalt  }
0x72: {  	_ =	shalt  }
0x73: {  	_ =	shalt  }
0x74: {  	_ =	shalt  }
0x75: {  	_ =	shalt  }
0x76: {  	_ =	shalt  }
0x77: {  	_ =	shalt  }
0x78: {  	_ =	shalt  }
0x79: {  	_ =	shalt  }
0x7a: {  	_ =	shalt  }
0x7b: {  	_ =	shalt  }
0x7c: {  	_ =	shalt  }
0x7d: {  	_ =	shalt  }
0x7e: {  	_ =	shalt  }
0x7f: {  	_ =	shalt  }
0x80: {  	_ =	shalt  }
0x81: {  	_ =	shalt  }
0x82: {  	_ =	shalt  }
0x83: {  	_ =	shalt  }
0x84: {  	_ =	shalt  }
0x85: {  	_ =	shalt  }
0x86: {  	_ =	shalt  }
0x87: {  	_ =	shalt  }
.Lfunc_end0:
.L_simem_size_0:
called_computation.1_lowered:
.L_overlay_start_0:
0x88: {  	s2 =	sld [smem:$0x3FD9]  }
0x89: {  	s3 =	sld [smem:$0x3FFE];
	_ =	sdelay $0x1  }
0x8a: {  	s1 =	srdreg.scid  }
0x8b: {  	s0 =	sand.u32 $0x1, s1  }
0x8c: {  	s14 =	sshll.u32 s0, $0xA;
	s2 =	sadd.s32 s3, s2  }
0x8d: {  	s2 =	sadd.s32 s2, s14  }
0x8e: {  	[smem:$0x3FC5] =	sst s2  }
0x8f: {  	_ = 	snop  }
0x90: {  	s2 =	sld [smem:$0x3FD0];
	_ =	sdelay $0x2  }
0x91: {  	s15 =	simm.s32 $0xA;
	s4 =	simm.s32 $0x10  }
0x92: {  	[smem:s4], [sflag:s15] =	dma.local [hbm:s2], $0x1  }
0x93: {  	_ =	swait.eq [sflag:s15], $0x1  }
0x94: {  	[sflag:s15] =	ssyncset.done $0x0  }
0x95: {  	s16 =	sld [smem:$0x10];
	[sflag:s15] =	ssyncadd.s32 $0xFFFFFFFF  }
0x96: {  	s17 =	sld [smem:$0x11];
	(tm) =	ssettm $0x1  }
0x97: {  	s18 =	sld [smem:$0x3FFB];
	_ =	sdelay $0x3  }
0x98: {  	_ =	strace s18  }
0x99: {  	s4 =	sld [smem:$0x3FFC];
	_ =	sdelay $0x3  }
0x9a: {  	_ =	strace s4  }
0x9b: {  	s4 =	sld [smem:$0x3FFD];
	_ =	sdelay $0x3  }
0x9c: {  	_ =	strace s4  }
0x9d: {  	_ =	strace $0x8FFFFFFF  }
0x9e: {  	s19 =	sld [smem:$0x3FDB];
	_ =	sdelay $0x1  }
0x9f: {  	s5 =	simm.s32 $_scs_section_size  }
0xa0: {  	s6 =	simm.s32 $_size__tile_overlayer_lowered;
	s7 =	simm.s32 $_tile_overlayer_lowered  }
0xa1: {  	s22 =	simm.s32 $0x1BFF;
	s21 =	sshll.u32 s7, $0x1;
	s4 =	sadd.s32 s5, s19  }
0xa2: {  	s8 =	simm.s32 $0x0;
	s20 =	sshll.u32 s6, $0x1;
	s6 =	sadd.s32 s21, s4  }
0xa3: {  	[timem:s8], [sflag:s22] =	dma.local [hbm:s6], s20  }
0xa4: {  	_ =	swait.ge [sflag:s22], s20  }
0xa5: {  	s5 =	ssub.s32 $0x0, s20;
	[sflag:s22] =	ssyncset.done $0x0  }
0xa6: {  	[sflag:s22] =	ssyncadd.s32 s5;
	_ =	sdelay $0x1  }
0xa7: {  	s23 =	simm.s32 $0x1B8B  }
0xa8: {  	_ =	swait.ge [sflag:s23], $0x1  }
0xa9: {  	[sflag:s23] =	ssyncset.done $0x0  }
0xaa: {  	s25 =	simm.s32 $0x1B8E;
	s24 =	sld [smem:$0x3FFE];
	[sflag:s23] =	ssyncadd.s32 $0xFFFFFFFF  }
0xab: {  	s26 =	simm.s32 $execute0_lowered;
	[smem:$0x3FD2] =	sst s25  }
0xac: {  	s6 =	sshll.u32 s26, $0x1;
	_ =	strace $0x80000046;
	[dreg:$0x1] =	wrdreg $0xFFFFFFFF  }
0xad: {  	s28 =	simm.s32 $_size_execute0_lowered;
	s4 =	sadd.s32 s4, s6;
	[dreg:$0x0] =	wrdreg $0x0  }
0xae: {  	s6 =	sshll.u32 s28, $0x1;
	[dreg:$0x2] =	wrdreg s4  }
0xaf: {  	[dreg:$0x3] =	wrdreg s6  }
0xb0: {  	[dreg:$0x4] =	wrdreg $0xC0  }
0xb1: {  	_ =	task [dreg:s8], $0x5FFFF  }
0xb2: {  	[dreg:$0x1] =	wrdreg $0xFFFFFFFF  }
0xb3: {  	[dreg:$0x0] =	wrdreg $0x60  }
0xb4: {  	[dreg:$0x2] =	wrdreg s24  }
0xb5: {  	[dreg:$0x3] =	wrdreg s16  }
0xb6: {  	[dreg:$0x4] =	wrdreg s17  }
0xb7: {  	[dreg:$0x5] =	wrdreg $0x9  }
0xb8: {  	_ =	task.clear_ibuf [dreg:s8], $0x6FFFF;
	_ =	strace $0x90000046  }
0xb9: {  	s29 =	simm.s32 $0x9;
	_ =	strace $0x80000048  }
0xba: {  	_ =	swait.ge [sflag:s29], $0x1  }
0xbb: {  	[sflag:s29] =	ssyncadd.s32 $0xFFFFFFFF  }
0xbc: {  	_ =	strace $0x90000048  }
0xbd: {  	_ =	sfence  }
0xbe: {  	s30 =	sld [smem:$0x0];
	_ =	sdelay $0x2  }
0xbf: {  	s31 =	sshll.u32 s1, $0xD;
	s1 =	sshrl.u32 s1, $0x2  }
0xc0: {  	s3 =	sand.u32 $0x4000, s31;
	s1 =	sadd.s32 s1, s30  }
0xc1: {  	s0 =	sor.u32 s3, s0;
	s1 =	sshll.u32 s1, $0x11  }
0xc2: {  	s0 =	sor.u32 s1, s0  }
0xc3: {  	s0 =	sadd.s32 $0x8F2B, s0  }
0xc4: {  	[sflag:s0] =	ssyncadd.remote.s32 $0x1  }
0xc5: {  	_ =	sfence.sel $0xFFFF  }
0xc6: {  	[dreg:$0x0] =	wrdreg $0xFFFFFFFF;
	(pc) =	sbr.abs _section_cstart, $3  }
0xc7: {  	[dreg:$0x1] =	wrdreg $0xFFFFFFFF  }
0xc8: {  	_ =	task.clear_ibuf [dreg:s8], $0x2FFFF;
	_ =	strace $0x9FFFFFFF  }
0xc9: {  	(tm) =	ssettm $0x7FFFFFFF  }
tec
execute0_lowered:
.L_overlay_start_1:
0x0: {  	(tag) =	ssettag $0x1  }
0x1: {  	s6 =	rddreg [dreg:$0x0]  }
0x2: {  	s2 =	rddreg [dreg:$0x1];
	s1 =	srdreg.scid  }
0x3: {  	s0 =	stileid.u32;
	s9 =	rddreg [dreg:$0x2]  }
0x4: {  	s3 =	simm.s32 $0x0;
	s12 =	simm.s32 $0x1900;
	s13 =	simm.s32 $0x3200  }
0x5: {  	s14 =	simm.s32 $0x9600;
	s15 =	simm.s32 $0x80;
	s16 =	simm.s32 $0x6400  }
0x6: {  	s17 =	simm.s32 $0x48;
	s18 =	simm.s32 $0x8400;
	s19 =	simm.s32 $0x1  }
0x7: {  	s5 =	sand.u32 $0x1, s1;
	s4 =	sshll.u32 s0, $0x1;
	s1 =	rddreg [dreg:$0x3]  }
0x8: {  	s20 =	simm.s32 $0x0;
	[smem:$0x7FF] =	sst s3;
	s10 =	sor.u32 s5, s4  }
0x9: {  	_ =	strace $0x80000047;
	s7 =	ssub.s32 $0x2, s5;
	s4 =	smul.u32 $0x1900, s10  }
0xa: {  	s5 =	sadd.s32 $0xDC00, s6;
	s11 =	sshrl.u32 s7, $0x1;
	s10 =	sshll.u32 s10, $0x2  }
0xb: {  	s11 =	ssub.s32 s7, s11;
	s9 =	sadd.s32 s9, s10;
	s8 =	sshrl.u32 s4, $0x3  }
0xc: {  	s10 =	smax.u32 s11, $0x1;
	s11 =	simm.s32 $0x2;
	s8 =	sadd.s32 s8, s6  }
0xd: {  	s6 =	sadd.s32 $0xC00, s6;
	s7 =	sadd.s32 $0x1400, s8;
	s8 =	sadd.s32 $0x7800, s8  }
.LBB2_1:
0xe: {  	[tilespmem:s3], [sflag:$0x2] =	stream.linear.gather [hbm4b:s7+s3], $0x1900, $0x38;
	[tilespmem:$0x9620] =	vst v63  }
0xf: {  	_ =	swait.ge [sflag:s11], $0x1900  }
0x10: {  	[sflag:s11] =	ssyncset.done $0x0  }
0x11: {  	[sflag:s11] =	ssyncadd.s32 $0xFFFFE700  }
0x12: {  	[tilespmem:s12], [sflag:$0x2] =	stream.linear.gather [hbm4b:s8+s3], $0x1900, $0x38;
	[tilespmem:$0x9620] =	vst v63  }
0x13: {  	_ =	swait.ge [sflag:s11], $0x1900  }
0x14: {  	[sflag:s11] =	ssyncset.done $0x0  }
0x15: {  	[sflag:s11] =	ssyncadd.s32 $0xFFFFE700  }
0x16: {  	[tilespmem:s13], [sflag:$0x2] =	stream.linear.gather [hbm4b:s6+s3], $0x3200, $0x38;
	[tilespmem:$0x9620] =	vst v63  }
0x17: {  	_ =	swait.ge [sflag:s11], $0x3200  }
0x18: {  	[sflag:s11] =	ssyncset.done $0x0  }
0x19: {  	s23 =	simm.s32 $0x1940;
	[sflag:s11] =	ssyncadd.s32 $0xFFFFCE00  }
0x1a: {  	v0 =	vld [tilespmem:s23+$0x20]  }
0x1b: {  	v1 =	vld [tilespmem:s23+$0x30]  }
0x1c: {  	v2 =	vld [tilespmem:s23+$0x0]  }
0x1d: {  	v9 =	vld [tilespmem:s23+$0x10]  }
0x1e: {  	v4 =	vld [tilespmem:s23+$0xFFFFFFE0]  }
0x1f: {  	v6 =	vld [tilespmem:s23+$0xFFFFFFC0]  }
0x20: {  	v8 =	vld [tilespmem:s23+$0xFFFFFFD0]  }
0x21: {  	v7 =	vld [tilespmem:s23+$0xFFFFFFF0];
	_ =	sdelay $0x1  }
0x22: {  	v5 =	vimm.s32 $0xFFFFFFFF;
	v0 =	vshll.u32 v0, $0x8;
	v3 =	vshll.u32 v2, $0x8  }
0x23: {  	s21 =	simm.s32 $0xFC;
	s22 =	simm.s32 $0x0;
	s23 =	simm.s32 $0x19C0;
	v2 =	vshll.u32 v9, $0x8;
	v1 =	vshll.u32 v1, $0x8;
	v9 =	vimm.s32 $0xFFFFFFFF  }
.LBB2_2:
0x24: {  	v10 =	vld [tilespmem:s23+$0x20];
	s24 =	sadd.s32 $0x3, s21;
	v6 =	vshll.u32 v6, $0x8;
	v8 =	vshll.u32 v8, $0x8;
	v4 =	vshll.u32 v4, $0x8  }
0x25: {  	v11 =	vld [tilespmem:s23+$0x30];
	v6 =	vor.u32 s24, v6;
	v8 =	vor.u32 s24, v8;
	s24 =	sadd.s32 $0x2, s21;
	v7 =	vshll.u32 v7, $0x8  }
0x26: {  	v12 =	vld [tilespmem:s23+$0x0];
	vm0 =	vgt.s32 v5, v6;
	vm1 =	vgt.s32 v9, v8;
	v13 =	vor.u32 s24, v4  }
0x27: {  	v7 =	vor.u32 s24, v7;
	s24 =	sadd.s32 $0x1, s21;
	v14 =	vld [tilespmem:s23+$0x10];
	v5 =	vsel vm0, v5, v6;
	v8 =	vsel vm1, v9, v8  }
0x28: {  	s22 =	sadd.s32 $0x4, s22;
	v3 =	vor.u32 s24, v3;
	v4 =	vld [tilespmem:s23+$0xFFFFFFE0];
	vm0 =	vgt.s32 v5, v13;
	vm1 =	vgt.s32 v8, v7  }
0x29: {  	p0 =	slt.u32 s22, $0xC4;
	v2 =	vor.u32 s24, v2;
	v6 =	vld [tilespmem:s23+$0xFFFFFFC0];
	v5 =	vsel vm0, v5, v13;
	v9 =	vsel vm1, v8, v7  }
.Ltmp0:
0x2a: {  	v13 =	vor.u32 s21, v0;
	v8 =	vld [tilespmem:s23+$0xFFFFFFD0];
	vm0 =	vgt.s32 v5, v3;
	vm1 =	vgt.s32 v9, v2;
	(pc) =	sbr.rel @p0 .LBB2_2-.Ltmp0, $4  }
0x2b: {  	v1 =	vor.u32 s21, v1;
	v7 =	vld [tilespmem:s23+$0xFFFFFFF0];
	v3 =	vsel vm0, v5, v3;
	v2 =	vsel vm1, v9, v2  }
0x2c: {  	vm0 =	vgt.s32 v3, v13;
	vm1 =	vgt.s32 v2, v1  }
0x2d: {  	v0 =	vshll.u32 v10, $0x8;
	v5 =	vsel vm0, v3, v13;
	v9 =	vsel vm1, v2, v1  }
0x2e: {  	s21 =	sadd.s32 $0xFFFFFFFC, s21;
	s23 =	sadd.s32 $0x80, s23;
	v3 =	vshll.u32 v12, $0x8;
	v2 =	vshll.u32 v14, $0x8;
	v1 =	vshll.u32 v11, $0x8  }
0x2f: {  	s22 =	sadd.s32 $0x3, s21;
	v6 =	vshll.u32 v6, $0x8  }
0x30: {  	v8 =	vshll.u32 v8, $0x8;
	v4 =	vshll.u32 v4, $0x8;
	v6 =	vor.u32 s22, v6  }
0x31: {  	s30 =	sadd.s32 $0x2, s21;
	v8 =	vor.u32 s22, v8;
	v7 =	vshll.u32 v7, $0x8;
	vm0 =	vgt.s32 v5, v6  }
0x32: {  	v4 =	vor.u32 s30, v4;
	vm1 =	vgt.s32 v9, v8;
	v5 =	vsel vm0, v5, v6  }
0x33: {  	s31 =	sadd.s32 $0x1, s21;
	v7 =	vor.u32 s30, v7;
	v61 =	vsel vm1, v9, v8;
	vm0 =	vgt.s32 v5, v4  }
0x34: {  	v3 =	vor.u32 s31, v3;
	vm1 =	vgt.s32 v61, v7;
	v4 =	vsel vm0, v5, v4  }
0x35: {  	v2 =	vor.u32 s31, v2;
	v62 =	vsel vm1, v61, v7;
	vm0 =	vgt.s32 v4, v3  }
0x36: {  	v0 =	vor.u32 s21, v0;
	vm1 =	vgt.s32 v62, v2;
	v3 =	vsel vm0, v4, v3  }
0x37: {  	v1 =	vor.u32 s21, v1;
	v2 =	vsel vm1, v62, v2;
	vm0 =	vgt.s32 v3, v0  }
0x38: {  	vm1 =	vgt.s32 v2, v1;
	v0 =	vsel vm0, v3, v0  }
0x39: {  	v1 =	vsel vm1, v2, v1;
	v0 =	vandn.u32 $0xFF, v0  }
0x3a: {  	v63 =	vandn.u32 $0xFF, v1;
	[tilespmem:$0x9600] =	vst v0  }
0x3b: {  	s21 =	simm.s32 $0x0;
	[tilespmem:$0x9610] =	vst v63  }
0x3c: {  	[hbm4b:s9+s21] =	stream.linear.scatter [tilespmem:s14], [sflag:$0x2], $0x20, $0x38;
	[tilespmem:$0x9620] =	vst v63  }
0x3d: {  	_ =	swait.ge [sflag:s11], $0x20  }
0x3e: {  	[sflag:s11] =	ssyncset.done $0x0  }
0x3f: {  	[sflag:s11] =	ssyncadd.s32 $0xFFFFFFE0  }
.LBB2_4:
0x40: {  	s22 =	smul.u32 $0xC8, s21;
	_ =	sdelay $0x1  }
0x41: {  	[tilespmem:s16], [sflag:$0x1] =	stream.indirect.gather [hbm4b:s5+s15], $0x40, s22, s15, $0xb8;
	[tilespmem:$0x9620] =	vst v63  }
0x42: {  	s23 =	sadd.s32 $0x80, s22  }
0x43: {  	[tilespmem:s18], [sflag:$0x1] =	stream.indirect.gather [hbm4b:s5+s17], $0x40, s23, s17, $0xb8;
	[tilespmem:$0x9620] =	vst v63  }
0x44: {  	_ =	swait.ge [sflag:s19], $0x2000  }
0x45: {  	[sflag:s19] =	ssyncset.done $0x0  }
0x46: {  	[sflag:s19] =	ssyncadd.s32 $0xFFFFE000  }
0x47: {  	_ =	swait.ge [sflag:s19], $0x1200  }
0x48: {  	[sflag:s19] =	ssyncset.done $0x0  }
0x49: {  	s23 =	simm.s32 $0x6440;
	[sflag:s19] =	ssyncadd.s32 $0xFFFFEE00  }
0x4a: {  	s24 =	simm.s32 $0x3240;
	v0 =	vld [tilespmem:s23+$0xFFFFFFC0]  }
0x4b: {  	v1 =	vld [tilespmem:s24+$0xFFFFFFC0];
	_ =	sdelay $0x4  }
0x4c: {  	v0 =	vadd.f32 v1, v0;
	_ =	sdelay $0x1  }
0x4d: {  	[tilespmem:s23+$0xFFFFFFC0] =	vst v0;
	v0 =	vld [tilespmem:s23+$0xFFFFFFD0]  }
0x4e: {  	v1 =	vld [tilespmem:s24+$0xFFFFFFD0];
	_ =	sdelay $0x4  }
0x4f: {  	v0 =	vadd.f32 v1, v0;
	_ =	sdelay $0x1  }
0x50: {  	[tilespmem:s23+$0xFFFFFFD0] =	vst v0;
	v0 =	vld [tilespmem:s23+$0xFFFFFFE0]  }
0x51: {  	v1 =	vld [tilespmem:s24+$0xFFFFFFE0];
	_ =	sdelay $0x4  }
0x52: {  	v0 =	vadd.f32 v1, v0;
	_ =	sdelay $0x1  }
0x53: {  	[tilespmem:s23+$0xFFFFFFE0] =	vst v0;
	v0 =	vld [tilespmem:s23+$0xFFFFFFF0]  }
0x54: {  	v1 =	vld [tilespmem:s24+$0xFFFFFFF0];
	_ =	sdelay $0x4  }
0x55: {  	v0 =	vadd.f32 v1, v0;
	_ =	sdelay $0x1  }
0x56: {  	[tilespmem:s23+$0xFFFFFFF0] =	vst v0;
	v0 =	vld [tilespmem:s23+$0x0]  }
0x57: {  	v1 =	vld [tilespmem:s24+$0x0];
	_ =	sdelay $0x4  }
0x58: {  	v0 =	vadd.f32 v1, v0;
	_ =	sdelay $0x1  }
0x59: {  	[tilespmem:s23+$0x0] =	vst v0;
	v0 =	vld [tilespmem:s23+$0x10]  }
0x5a: {  	v1 =	vld [tilespmem:s24+$0x10];
	_ =	sdelay $0x4  }
0x5b: {  	v0 =	vadd.f32 v1, v0;
	_ =	sdelay $0x1  }
0x5c: {  	[tilespmem:s23+$0x10] =	vst v0;
	v0 =	vld [tilespmem:s23+$0x20]  }
0x5d: {  	v1 =	vld [tilespmem:s24+$0x20];
	_ =	sdelay $0x4  }
0x5e: {  	v0 =	vadd.f32 v1, v0;
	_ =	sdelay $0x1  }
0x5f: {  	[tilespmem:s23+$0x20] =	vst v0;
	v0 =	vld [tilespmem:s23+$0x30]  }
0x60: {  	v1 =	vld [tilespmem:s24+$0x30];
	_ =	sdelay $0x4  }
0x61: {  	v0 =	vadd.f32 v1, v0  }
0x62: {  	s25 =	simm.s32 $0x0;
	s26 =	simm.s32 $0x64C0  }
.LBB2_5:
0x63: {  	v1 =	vld [tilespmem:s26+$0xFFFFFFC0];
	[tilespmem:s23+$0x30] =	vst v0;
	s24 =	sadd.s32 $0x80, s24;
	s23 =	smov.u32 s26  }
0x64: {  	s25 =	sadd.s32 $0x2, s25;
	v0 =	vld [tilespmem:s24+$0xFFFFFFC0]  }
0x65: {  	p0 =	slt.u32 s25, $0xC6;
	_ =	sdelay $0x3  }
0x66: {  	v0 =	vadd.f32 v0, v1;
	_ =	sdelay $0x1  }
0x67: {  	[tilespmem:s26+$0xFFFFFFC0] =	vst v0;
	v0 =	vld [tilespmem:s26+$0xFFFFFFD0]  }
0x68: {  	v1 =	vld [tilespmem:s24+$0xFFFFFFD0];
	_ =	sdelay $0x4  }
0x69: {  	v0 =	vadd.f32 v1, v0;
	_ =	sdelay $0x1  }
0x6a: {  	[tilespmem:s26+$0xFFFFFFD0] =	vst v0;
	v0 =	vld [tilespmem:s26+$0xFFFFFFE0]  }
0x6b: {  	v1 =	vld [tilespmem:s24+$0xFFFFFFE0];
	_ =	sdelay $0x4  }
0x6c: {  	v0 =	vadd.f32 v1, v0;
	_ =	sdelay $0x1  }
0x6d: {  	[tilespmem:s26+$0xFFFFFFE0] =	vst v0;
	v0 =	vld [tilespmem:s26+$0xFFFFFFF0]  }
0x6e: {  	v1 =	vld [tilespmem:s24+$0xFFFFFFF0];
	_ =	sdelay $0x4  }
0x6f: {  	v0 =	vadd.f32 v1, v0;
	_ =	sdelay $0x1  }
0x70: {  	[tilespmem:s26+$0xFFFFFFF0] =	vst v0;
	v0 =	vld [tilespmem:s26+$0x0]  }
0x71: {  	v1 =	vld [tilespmem:s24+$0x0];
	_ =	sdelay $0x4  }
0x72: {  	v0 =	vadd.f32 v1, v0;
	_ =	sdelay $0x1  }
0x73: {  	[tilespmem:s26+$0x0] =	vst v0;
	v0 =	vld [tilespmem:s26+$0x10]  }
0x74: {  	v1 =	vld [tilespmem:s24+$0x10];
	_ =	sdelay $0x4  }
0x75: {  	v0 =	vadd.f32 v1, v0;
	_ =	sdelay $0x1  }
0x76: {  	[tilespmem:s26+$0x10] =	vst v0;
	v0 =	vld [tilespmem:s26+$0x20]  }
0x77: {  	v1 =	vld [tilespmem:s24+$0x20];
	_ =	sdelay $0x4  }
0x78: {  	v0 =	vadd.f32 v1, v0;
	_ =	sdelay $0x1  }
0x79: {  	[tilespmem:s26+$0x20] =	vst v0;
	v0 =	vld [tilespmem:s26+$0x30]  }
0x7a: {  	v1 =	vld [tilespmem:s24+$0x30];
	_ =	sdelay $0x1  }
.Ltmp1:
0x7b: {  	(pc) =	sbr.rel @p0 .LBB2_5-.Ltmp1, $3  }
0x7c: {  	_ =	sdelay $0x1  }
0x7d: {  	v0 =	vadd.f32 v1, v0  }
0x7e: {  	s26 =	sadd.s32 $0x80, s26  }
0x7f: {  	s22 =	sadd.s32 s4, s22;
	s21 =	sadd.s32 $0x1, s21  }
0x80: {  	s22 =	sshll.u32 s22, $0x3;
	p0 =	sne.s32 s21, $0x20  }
.Ltmp2:
0x81: {  	[tilespmem:s23+$0x30] =	vst v0;
	s22 =	sadd.s32 s2, s22;
	(pc) =	sbr.rel @p0 .LBB2_4-.Ltmp2, $4  }
0x82: {  	[hbm4b:s22+s3] =	stream.linear.scatter [tilespmem:s16], [sflag:$0x2], $0x3200, $0x38;
	[tilespmem:$0x9620] =	vst v63  }
0x83: {  	_ =	swait.ge [sflag:s11], $0x3200  }
0x84: {  	[sflag:s11] =	ssyncset.done $0x0  }
0x85: {  	[sflag:s11] =	ssyncadd.s32 $0xFFFFCE00  }
0x86: {  	s20 =	sadd.s32 $0x1, s20  }
0x87: {  	p0 =	sne.s32 s20, s10  }
.Ltmp3:
0x88: {  	_ = 	snop;
	(pc) =	sbr.rel @p0 .LBB2_1-.Ltmp3, $1  }
0x89: {  	_ =	sdelay $0x3  }
0x8a: {  	_ =	sfence.sel $0x180000  }
0x8b: {  	[bflag:$0x0] =	sbarrier.arrive $0xFFFF  }
0x8c: {  	p0 =	sne.s32 s0, $0x0;
	_ =	strace $0x90000047  }
0x8d: {  	s0 =	sadd.s32 @!p0 $0x100000, s1;
	[bflag:$0x2] =	sbarrier.arrive $0xFFFF  }
0x8e: {  	[sflag:s0] =	ssyncadd.tile.s32 @!p0 $0x1;
	_ =	shalt  }
.Lfunc_end2:
_tile_overlayer_lowered:
.L_overlay_start_2:
0x8f: {  	(tag) =	ssettag $0x2  }
0x90: {  	s0 =	rddreg [dreg:$0x0];
	s2 =	stileid.u32  }
0x91: {  	s1 =	rddreg [dreg:$0x1];
	p0 =	sne.s32 s2, $0x0  }
0x92: {  	s3 =	rddreg [dreg:$0x2];
	[bflag:$0x3] =	sbarrier.arrive $0xFFFF;
	s2 =	simm.s32 @!p0 $0x1C02  }
0x93: {  	[timem:s3], [sflag:s2] =	dma.local @!p0 [hbm:s0], s1  }
0x94: {  	s0 =	simm.s32 @!p0 $0x2  }
0x95: {  	_ =	swait.ge @!p0 [sflag:s0], s1  }
0x96: {  	s1 =	ssub.s32 @!p0 $0x0, s1;
	[sflag:s0] =	ssyncset.done @!p0 $0x0  }
0x97: {  	[sflag:s0] =	ssyncadd.s32 @!p0 s1  }
0x98: {  	[bflag:$0x3] =	sbarrier.arrive $0xFFFF  }
0x99: {  	_ =	shalt  }

// kernel: sparse-core-data-format-call.cloned.1.call-start
scs
called_computation_lowered:
.L_overlay_start_0:
0x0: {  	s2 =	sld [smem:$0x3FD9]  }
0x1: {  	s3 =	sld [smem:$0x3FFE];
	_ =	sdelay $0x1  }
0x2: {  	s1 =	srdreg.scid  }
0x3: {  	s0 =	sand.u32 $0x1, s1  }
0x4: {  	s15 =	sshll.u32 s0, $0xA;
	s2 =	sadd.s32 s3, s2  }
0x5: {  	s2 =	sadd.s32 s2, s15  }
0x6: {  	[smem:$0x3FC5] =	sst s2  }
0x7: {  	_ = 	snop  }
0x8: {  	s2 =	sld [smem:$0x3FD0];
	_ =	sdelay $0x2  }
0x9: {  	s16 =	simm.s32 $0xA;
	s4 =	simm.s32 $0x10  }
0xa: {  	[smem:s4], [sflag:s16] =	dma.local [hbm:s2], $0x1  }
0xb: {  	_ =	swait.eq [sflag:s16], $0x1  }
0xc: {  	[sflag:s16] =	ssyncset.done $0x0  }
0xd: {  	[sflag:s16] =	ssyncadd.s32 $0xFFFFFFFF  }
0xe: {  	s17 =	sld [smem:$0x10];
	(tm) =	ssettm $0x1  }
0xf: {  	s18 =	sld [smem:$0x3FFB];
	_ =	sdelay $0x3  }
0x10: {  	_ =	strace s18  }
0x11: {  	s3 =	sld [smem:$0x3FFC];
	_ =	sdelay $0x3  }
0x12: {  	_ =	strace s3  }
0x13: {  	s3 =	sld [smem:$0x3FFD];
	_ =	sdelay $0x3  }
0x14: {  	_ =	strace s3  }
0x15: {  	_ =	strace $0x8FFFFFFF  }
0x16: {  	s19 =	sld [smem:$0x3FDB];
	_ =	sdelay $0x1  }
0x17: {  	s20 =	simm.s32 $_scs_section_size  }
0x18: {  	s5 =	simm.s32 $_size__tile_overlayer_lowered;
	s6 =	simm.s32 $_tile_overlayer_lowered  }
0x19: {  	s23 =	simm.s32 $0x1BFF;
	s22 =	sshll.u32 s6, $0x1;
	s3 =	sadd.s32 s20, s19  }
0x1a: {  	s7 =	simm.s32 $0x0;
	s21 =	sshll.u32 s5, $0x1;
	s5 =	sadd.s32 s22, s3  }
0x1b: {  	[timem:s7], [sflag:s23] =	dma.local [hbm:s5], s21  }
0x1c: {  	_ =	swait.ge [sflag:s23], s21  }
0x1d: {  	s4 =	ssub.s32 $0x0, s21;
	[sflag:s23] =	ssyncset.done $0x0  }
0x1e: {  	[sflag:s23] =	ssyncadd.s32 s4;
	_ =	sdelay $0x1  }
0x1f: {  	s24 =	simm.s32 $0x1B8B  }
0x20: {  	_ =	swait.ge [sflag:s24], $0x1  }
0x21: {  	[sflag:s24] =	ssyncset.done $0x0  }
0x22: {  	s26 =	simm.s32 $0x1B8E;
	s25 =	sld [smem:$0x3FFE];
	[sflag:s24] =	ssyncadd.s32 $0xFFFFFFFF  }
0x23: {  	s27 =	simm.s32 $execute0_lowered;
	[smem:$0x3FD2] =	sst s26  }
0x24: {  	s5 =	sshll.u32 s27, $0x1;
	_ =	strace $0x80000049;
	[dreg:$0x1] =	wrdreg $0xFFFFFFFF  }
0x25: {  	s28 =	simm.s32 $_size_execute0_lowered;
	s3 =	sadd.s32 s3, s5;
	[dreg:$0x0] =	wrdreg $0x0  }
0x26: {  	s5 =	sshll.u32 s28, $0x1;
	[dreg:$0x2] =	wrdreg s3  }
0x27: {  	[dreg:$0x3] =	wrdreg s5  }
0x28: {  	[dreg:$0x4] =	wrdreg $0xC0  }
0x29: {  	_ =	task [dreg:s7], $0x5FFFF  }
0x2a: {  	[dreg:$0x1] =	wrdreg $0xFFFFFFFF  }
0x2b: {  	[dreg:$0x0] =	wrdreg $0x60  }
0x2c: {  	[dreg:$0x2] =	wrdreg s25  }
0x2d: {  	[dreg:$0x3] =	wrdreg s17  }
0x2e: {  	[dreg:$0x4] =	wrdreg $0x9  }
0x2f: {  	_ =	task.clear_ibuf [dreg:s7], $0x5FFFF;
	_ =	strace $0x90000049  }
0x30: {  	s29 =	simm.s32 $0x9;
	_ =	strace $0x8000004B  }
0x31: {  	_ =	swait.ge [sflag:s29], $0x1  }
0x32: {  	[sflag:s29] =	ssyncadd.s32 $0xFFFFFFFF  }
0x33: {  	_ =	strace $0x9000004B  }
0x34: {  	_ =	sfence  }
0x35: {  	s30 =	sld [smem:$0x0];
	_ =	sdelay $0x2  }
0x36: {  	s31 =	sshll.u32 s1, $0xD;
	s1 =	sshrl.u32 s1, $0x2  }
0x37: {  	s3 =	sand.u32 $0x4000, s31;
	s1 =	sadd.s32 s1, s30  }
0x38: {  	s0 =	sor.u32 s3, s0;
	s1 =	sshll.u32 s1, $0x11  }
0x39: {  	s0 =	sor.u32 s1, s0  }
0x3a: {  	s0 =	sadd.s32 $0x8F2B, s0  }
0x3b: {  	[sflag:s0] =	ssyncadd.remote.s32 $0x1  }
0x3c: {  	_ =	sfence.sel $0xFFFF  }
0x3d: {  	[dreg:$0x0] =	wrdreg $0xFFFFFFFF;
	(pc) =	sbr.abs _section_cstart, $3  }
0x3e: {  	[dreg:$0x1] =	wrdreg $0xFFFFFFFF  }
0x3f: {  	_ =	task.clear_ibuf [dreg:s7], $0x2FFFF;
	_ =	strace $0x9FFFFFFF  }
0x40: {  	(tm) =	ssettm $0x7FFFFFFF  }
0x41: {  	_ =	shalt  }
tec
execute0_lowered:
.L_overlay_start_1:
0x0: {  	(tag) =	ssettag $0x1  }
0x1: {  	s0 =	stileid.u32;
	s6 =	rddreg [dreg:$0x0]  }
0x2: {  	s2 =	rddreg [dreg:$0x1];
	s5 =	srdreg.scid  }
0x3: {  	s31 =	simm.s32 $0x2;
	s13 =	simm.s32 $0x0;
	s1 =	sshll.u32 s0, $0x7  }
0x4: {  	s14 =	simm.s32 $0x0;
	s12 =	simm.s32 $0x0;
	s3 =	sand.u32 $0x380, s1  }
0x5: {  	s5 =	sshll.u32 s5, $0x4;
	s6 =	sadd.s32 $0xC00, s6;
	s4 =	ssub.s32 $0x400, s3  }
0x6: {  	s1 =	rddreg [dreg:$0x2];
	_ =	strace $0x8000004A;
	s7 =	sand.u32 $0x380, s4  }
0x7: {  	s5 =	sand.u32 $0x10, s5;
	p0 =	sne.s32 s7, $0x0;
	s7 =	simm.s32 $0x1  }
.Ltmp0:
0x8: {  	s8 =	sshrl.u32 s4, $0xA;
	s7 =	simm.s32 @!p0 $0x0;
	(pc) =	sbr.rel .LBB1_1-.Ltmp0, $4  }
0x9: {  	s9 =	sor.u32 s0, s5;
	s4 =	simm.s32 $0x1;
	s30 =	sadd.s32 s7, s8  }
0xa: {  	s11 =	smov.u32 s3;
	[sflag:s4] =	ssyncpa.u1 $0x0;
	s5 =	smul.u32 $0x32, s30  }
0xb: {  	[sflag:s31] =	ssyncpa.u1 $0x0;
	p0 =	por $0x0, $0x0;
	s7 =	sshrl.u32 s9, $0x3  }
0xc: {  	s9 =	simm.s32 $0x2000;
	s10 =	smov.u32 s7;
	s8 =	sor.u32 $0x1, s5  }
.LBB1_4:
0xd: {  	s17 =	sand.u32 $0x1F80, s14;
	s13 =	sshll.u32 s13, $0xD  }
0xe: {  	[tilespmem:s16+$0x810 ss:$0x81] =	vst.msk $0xffff, v2;
	s18 =	sshrl.u32 s14, $0x3;
	s31 =	sand.u32 $0x7, s14;
	s17 =	sadd.s32 s2, s17  }
0xf: {  	[tilespmem:s16+$0x1020 ss:$0x81] =	vst.msk $0xffff, v0;
	s18 =	sand.u32 $0xF, s18;
	s14 =	sshll.u32 s31, $0x12;
	s13 =	sadd.s32 s13, s17  }
0x10: {  	[tilespmem:s16+$0x0 ss:$0x81] =	vst.msk $0xffff, v1;
	s14 =	sor.u32 $0x400, s14;
	s13 =	sadd.s32 s18, s13  }
0x11: {  	[hbm4b:s13+s14] =	stream.strided.scatter [tilespmem:s15], [sflag:$0x2], $0x2000, s9, s14, $0x20;
	[tilespmem:$0x8080] =	vst v63  }
.LBB1_5:
0x12: {  	s15 =	sadd.s32 $0x4, s10  }
0x13: {  	s13 =	sadd.s32 $0x400, s11;
	s17 =	smov.u32 s11;
	p2 =	sgt.s32 s15, $0xC7  }
0x14: {  	s17 =	smov.u32 @p2 s13  }
0x15: {  	s15 =	smov.u32 @p2 s7;
	p2 =	sgt.s32 s17, $0x3FF  }
0x16: {  	s17 =	smov.u32 @p2 s3;
	p2 =	sne.s32 s12, s8  }
.Ltmp1:
0x17: {  	p1 =	slt.u32 s12, $0x2;
	(pc) =	sbr.rel @!p2 .LBB1_6-.Ltmp1, $4  }
0x18: {  	s16 =	simm.s32 @!p1 $0x2  }
0x19: {  	s14 =	smov.u32 s11;
	p0 =	por !p0, !p0;
	_ =	swait.ge @!p1 [sflag:s16], $0x2000  }
0x1a: {  	s13 =	smov.u32 s10;
	[sflag:s16] =	ssyncset.done @!p1 $0x0;
	s10 =	smov.u32 s15  }
0x1b: {  	s12 =	sadd.s32 $0x1, s12;
	[sflag:s16] =	ssyncadd.s32 @!p1 $0xFFFFE000;
	s11 =	smov.u32 s17  }
.LBB1_1:
0x1c: {  	p1 =	sge.u32 s12, s5  }
0x1d: {  	s15 =	sand.u32 @!p1 $0x1FFFFFF, s10  }
0x1e: {  	s16 =	smulhi.u32 @!p1 $0x147AE15, s15;
	_ =	sdelay $0x1  }
0x1f: {  	s16 =	smul.u32 @!p1 $0xC8, s16  }
0x20: {  	s17 =	sxor.u32 @!p1 $0xFFFFFFFF, s12;
	s18 =	smul.u32 @!p1 $0xC80, s11  }
0x21: {  	s31 =	sadd.s32 $0xFFFFFFFF, s12;
	s17 =	sshll.u32 @!p1 s17, $0xD;
	s15 =	ssub.s32 @!p1 s15, s16  }
0x22: {  	s16 =	sand.u32 @!p1 $0x2000, s17;
	s17 =	sadd.s32 @!p1 s6, s18;
	s15 =	sshll.u32 @!p1 s15, $0x4  }
0x23: {  	s18 =	simm.s32 @!p1 $0x6400;
	s15 =	sadd.s32 @!p1 s15, s17;
	s17 =	simm.s32 @!p1 $0x40  }
0x24: {  	[tilespmem:s16], [sflag:$0x1] =	stream.strided.gather @!p1 [hbm4b:s15+s17], $0x2000, s18, s17, $0x38;
	[tilespmem:$0x8080] =	vst v63  }
0x25: {  	p1 =	sge.u32 s31, s5  }
.Ltmp2:
0x26: {  	_ = 	snop;
	(pc) =	sbr.rel @p1 .LBB1_5-.Ltmp2, $1  }
0x27: {  	_ =	sdelay $0x3  }
0x28: {  	s15 =	simm.s32 $0x1  }
0x29: {  	_ =	swait.ge [sflag:s4], $0x2000;
	s15 =	simm.s32 @!p0 $0x0  }
0x2a: {  	[sflag:s4] =	ssyncset.done $0x0;
	s16 =	sshll.u32 s15, $0xD  }
0x2b: {  	[sflag:s4] =	ssyncadd.s32 $0xFFFFE000;
	s19 =	sor.u32 $0x20, s16  }
0x2c: {  	s15 =	smul.u32 $0x8100, s15;
	v3 =	vld [tilespmem:s19+$0x10]  }
0x2d: {  	s30 =	sand.u32 $0x1, s12;
	v2 =	vld [tilespmem:s19+$0xFFFFFFF0]  }
0x2e: {  	s16 =	smul.u32 $0x8100, s30;
	s15 =	sshrl.u32 s15, $0x2;
	v0 =	vld [tilespmem:s19+$0x0]  }
0x2f: {  	v1 =	vld [tilespmem:s19+$0xFFFFFFE0];
	s17 =	sor.u32 $0x4000, s15  }
0x30: {  	s31 =	sshrl.u32 s16, $0x2;
	s16 =	sadd.s32 $0x0, s17  }
0x31: {  	s18 =	simm.s32 $0x4;
	s19 =	sadd.s32 $0x40, s19;
	s15 =	sor.u32 $0x4000, s31;
	[tilespmem:s16+$0x1830 ss:$0x81] =	vst.msk $0xffff, v3  }
.LBB1_3:
0x32: {  	v3 =	vld [tilespmem:s19+$0x10];
	p1 =	sne.s32 s18, $0x1FC;
	[tilespmem:s16+$0x810 ss:$0x81] =	vst.msk $0xffff, v2;
	s20 =	smov.u32 s18;
	s18 =	sadd.s32 $0x4, s18  }
.Ltmp3:
0x33: {  	v2 =	vld [tilespmem:s19+$0xFFFFFFF0];
	[tilespmem:s16+$0x1020 ss:$0x81] =	vst.msk $0xffff, v0;
	(pc) =	sbr.rel @p1 .LBB1_3-.Ltmp3, $4  }
0x34: {  	v0 =	vld [tilespmem:s19+$0x0];
	[tilespmem:s16+$0x0 ss:$0x81] =	vst.msk $0xffff, v1  }
0x35: {  	s16 =	sshra.s32 s20, $0x2;
	v1 =	vld [tilespmem:s19+$0xFFFFFFE0]  }
0x36: {  	s16 =	sadd.s32 s16, s17  }
0x37: {  	s19 =	sadd.s32 $0x40, s19;
	[tilespmem:s16+$0x1830 ss:$0x81] =	vst.msk $0xffff, v3  }
.Ltmp4:
0x38: {  	_ = 	snop;
	(pc) =	sbr.rel .LBB1_4-.Ltmp4, $1  }
0x39: {  	_ =	sdelay $0x3  }
.LBB1_6:
0x3a: {  	_ =	sfence.sel $0x180000  }
0x3b: {  	s2 =	simm.s32 $0x1;
	[bflag:$0x0] =	sbarrier.arrive $0xFFFF  }
0x3c: {  	s31 =	simm.s32 $0x2;
	[sflag:s2] =	ssyncpa.u1 $0x1  }
0x3d: {  	[sflag:s31] =	ssyncpa.u1 $0x1  }
0x3e: {  	p0 =	sne.s32 s0, $0x0;
	_ =	strace $0x9000004A  }
0x3f: {  	s0 =	sadd.s32 @!p0 $0x100000, s1;
	[bflag:$0x2] =	sbarrier.arrive $0xFFFF  }
0x40: {  	[sflag:s0] =	ssyncadd.tile.s32 @!p0 $0x1;
	_ =	shalt  }
.Lfunc_end1:
_tile_overlayer_lowered:
.L_overlay_start_2:
0x41: {  	(tag) =	ssettag $0x2  }
0x42: {  	s0 =	rddreg [dreg:$0x0];
	s2 =	stileid.u32  }
0x43: {  	s1 =	rddreg [dreg:$0x1];
	p0 =	sne.s32 s2, $0x0  }
0x44: {  	s3 =	rddreg [dreg:$0x2];
	[bflag:$0x3] =	sbarrier.arrive $0xFFFF;
	s2 =	simm.s32 @!p0 $0x1C01  }
0x45: {  	[timem:s3], [sflag:s2] =	dma.local @!p0 [hbm:s0], s1  }
0x46: {  	s0 =	simm.s32 @!p0 $0x1  }
0x47: {  	_ =	swait.ge @!p0 [sflag:s0], s1  }
0x48: {  	s1 =	ssub.s32 @!p0 $0x0, s1;
	[sflag:s0] =	ssyncset.done @!p0 $0x0  }
0x49: {  	[sflag:s0] =	ssyncadd.s32 @!p0 s1  }
0x4a: {  	[bflag:$0x3] =	sbarrier.arrive $0xFFFF  }
0x4b: {  	_ =	shalt  }

</sc_bundles>
